<compile_context>
chip_gen: v7x
topology: tpu7x:2x2x1
jax: 0.10.2.dev20260603
libtpu: 0.0.44.dev20260713+nightly
codegen_flags: <defaults>
</compile_context>

<pallas_src>
import functools

import jax
import jax.numpy as jnp
from jax import lax
from jax.experimental import pallas as pl
from jax.experimental.pallas import tpu as pltpu
from jax.experimental.pallas import tpu_sc as plsc

N = 10000
F = 128
D = 64
C = 3
E = 160000

NC, NS, L = 2, 16, 16
NW = NC * NS
CH = 128
NCH = 40
EPT = NCH * CH
E_PAD = NW * EPT
TRASH = N
R = 10240
RPT = R // NS

BLK = 512
_mesh = plsc.VectorSubcoreMesh(core_axis_name="c", subcore_axis_name="s")
_sc_params = pltpu.CompilerParams(use_tc_tiling_on_sc=False)



DW = 16


@functools.partial(
    pl.kernel,
    out_type=jax.ShapeDtypeStruct((NC, R, DW), jnp.float32),
    mesh=_mesh,
    scratch_types=[
        pltpu.VMEM((NCH, CH), jnp.int32),
        pltpu.VMEM((CH, DW), jnp.float32),
        pltpu.VMEM_SHARED((R, DW), jnp.float32),
        pltpu.SemaphoreType.DMA,
    ],
    compiler_params=_sc_params,
)
def _deg_kernel(dst_hbm, zeros_hbm, ones_hbm, out_hbm, dst_v, ones_v, acc, sem):
    c = lax.axis_index("c")
    s = lax.axis_index("s")
    wid = s * NC + c
    pltpu.sync_copy(dst_hbm.at[wid], dst_v)
    pltpu.sync_copy(ones_hbm, ones_v)
    pltpu.sync_copy(zeros_hbm.at[pl.ds(s * RPT, RPT)],
                    acc.at[pl.ds(s * RPT, RPT)])
    plsc.subcore_barrier()

    def fire(j, carry):
        pltpu.async_copy(ones_v, acc.at[dst_v.at[j]], sem, add=True)
        return carry

    lax.fori_loop(0, NCH, fire, 0)

    def drain(j, carry):
        pltpu.make_async_copy(ones_v, acc.at[dst_v.at[j]], sem).wait()
        return carry

    lax.fori_loop(0, NCH, drain, 0)
    plsc.subcore_barrier()
    pltpu.sync_copy(acc.at[pl.ds(s * RPT, RPT)],
                    out_hbm.at[c, pl.ds(s * RPT, RPT)])


NBUF = 4


@functools.partial(
    pl.kernel,
    out_type=jax.ShapeDtypeStruct((NC, R, D), jnp.float32),
    mesh=_mesh,
    scratch_types=[
        pltpu.VMEM((NCH, CH), jnp.int32),
        pltpu.VMEM((NCH, CH), jnp.int32),
        [pltpu.VMEM((CH, D), jnp.float32)] * NBUF,
        pltpu.VMEM_SHARED((R, D), jnp.float32),
        pltpu.VMEM_SHARED((R, D), jnp.float32),
        [pltpu.SemaphoreType.DMA] * NBUF,
        [pltpu.SemaphoreType.DMA] * NBUF,
    ],
    compiler_params=_sc_params,
)
def _scatter_kernel(y_hbm, src_hbm, dst_hbm, out_hbm,
                    src_v, dst_v, bufs, acc, y_s, gsems, ssems):
    c = lax.axis_index("c")
    s = lax.axis_index("s")
    wid = s * NC + c
    pltpu.sync_copy(src_hbm.at[wid], src_v)
    pltpu.sync_copy(dst_hbm.at[wid], dst_v)
    pltpu.sync_copy(y_hbm.at[pl.ds(s * RPT, RPT)],
                    acc.at[pl.ds(s * RPT, RPT)])
    pltpu.sync_copy(y_hbm.at[pl.ds(s * RPT, RPT)],
                    y_s.at[pl.ds(s * RPT, RPT)])
    plsc.subcore_barrier()

    def fire_gather(j, b):
        pltpu.async_copy(y_s.at[src_v.at[j]], bufs[b], gsems[b])

    def wait_gather(j, b):
        pltpu.make_async_copy(y_s.at[src_v.at[j]], bufs[b], gsems[b]).wait()

    def fire_scatter(j, b):
        pltpu.async_copy(bufs[b], acc.at[dst_v.at[j]], ssems[b], add=True)

    def wait_scatter(j, b):
        pltpu.make_async_copy(bufs[b], acc.at[dst_v.at[j]], ssems[b]).wait()

    for b in range(NBUF):
        fire_gather(b, b)

    def body(k, carry):
        base = k * NBUF
        for b in range(NBUF):
            wait_gather(base + b, b)
            fire_scatter(base + b, b)
        for b in range(NBUF):
            wait_scatter(base + b, b)
            nj = base + NBUF + b

            @pl.when(nj < NCH)
            def _():
                fire_gather(nj, b)
        return carry

    lax.fori_loop(0, NCH // NBUF, body, 0)
    plsc.subcore_barrier()
    pltpu.sync_copy(acc.at[pl.ds(s * RPT, RPT)],
                    out_hbm.at[c, pl.ds(s * RPT, RPT)])



def _a_body(degp, x, w1, y1, dinv):
    deg = degp[0, :, 0] + degp[1, :, 0] + 1.0
    di = lax.rsqrt(deg)
    xw = jnp.dot(x[...], w1[...], preferred_element_type=jnp.float32)
    y1[...] = xw * di[:, None]
    dinv[...] = di[:, None]


def _kA(degp, x, w1):
    grid = (pl.cdiv(N, BLK),)
    return pl.pallas_call(
        _a_body,
        grid=grid,
        in_specs=[
            pl.BlockSpec((NC, BLK, DW), lambda i: (0, i, 0)),
            pl.BlockSpec((BLK, F), lambda i: (i, 0)),
            pl.BlockSpec((F, D), lambda i: (0, 0)),
        ],
        out_specs=[
            pl.BlockSpec((BLK, D), lambda i: (i, 0)),
            pl.BlockSpec((BLK, 1), lambda i: (i, 0)),
        ],
        out_shape=[
            jax.ShapeDtypeStruct((R, D), jnp.float32),
            jax.ShapeDtypeStruct((N, 1), jnp.float32),
        ],
    )(degp, x, w1)


def _b_body(p, y1, dinv, b1, w2, y2):
    accv = p[0] + p[1] - y1[...]
    h = jnp.maximum(accv * dinv[...] + b1[...], 0.0)
    xw2 = jnp.dot(h, w2[...], preferred_element_type=jnp.float32)
    y2[...] = xw2 * dinv[...]


def _kB(p1, y1, dinv, b1, w2):
    grid = (pl.cdiv(N, BLK),)
    return pl.pallas_call(
        _b_body,
        grid=grid,
        in_specs=[
            pl.BlockSpec((NC, BLK, D), lambda i: (0, i, 0)),
            pl.BlockSpec((BLK, D), lambda i: (i, 0)),
            pl.BlockSpec((BLK, 1), lambda i: (i, 0)),
            pl.BlockSpec((1, D), lambda i: (0, 0)),
            pl.BlockSpec((D, D), lambda i: (0, 0)),
        ],
        out_specs=pl.BlockSpec((BLK, D), lambda i: (i, 0)),
        out_shape=jax.ShapeDtypeStruct((R, D), jnp.float32),
    )(p1, y1, dinv, b1, w2)


def _c_body(p2, y2, dinv, b2, wmu, bmu, wlv, blv, eps, mu, lv, zr):
    z = (p2[0] + p2[1] - y2[...]) * dinv[...] + b2[...]
    m = jnp.dot(z, wmu[...], preferred_element_type=jnp.float32) + bmu[...]
    l = jnp.dot(z, wlv[...], preferred_element_type=jnp.float32) + blv[...]
    mu[...] = m
    lv[...] = l
    zrv = m + eps[...] * jnp.exp(0.5 * l)
    zr[...] = jnp.concatenate(
        [zrv, jnp.zeros((zrv.shape[0], 8 - C), jnp.float32)], axis=1)


def _kC(p2, y2, dinv, b2, wmu, bmu, wlv, blv, eps):
    grid = (pl.cdiv(N, BLK),)
    rowspec = pl.BlockSpec((BLK, C), lambda i: (i, 0))
    return pl.pallas_call(
        _c_body,
        grid=grid,
        in_specs=[
            pl.BlockSpec((NC, BLK, D), lambda i: (0, i, 0)),
            pl.BlockSpec((BLK, D), lambda i: (i, 0)),
            pl.BlockSpec((BLK, 1), lambda i: (i, 0)),
            pl.BlockSpec((1, D), lambda i: (0, 0)),
            pl.BlockSpec((D, C), lambda i: (0, 0)),
            pl.BlockSpec((1, C), lambda i: (0, 0)),
            pl.BlockSpec((D, C), lambda i: (0, 0)),
            pl.BlockSpec((1, C), lambda i: (0, 0)),
            rowspec,
        ],
        out_specs=[rowspec, rowspec, pl.BlockSpec((BLK, 8), lambda i: (i, 0))],
        out_shape=[
            jax.ShapeDtypeStruct((N, C), jnp.float32),
            jax.ShapeDtypeStruct((N, C), jnp.float32),
            jax.ShapeDtypeStruct((N, 8), jnp.float32),
        ],
    )(p2, y2, dinv, b2, wmu, bmu, wlv, blv, eps)


BM, BN = 640, 10000


def _d_body(a, b, o):
    prod = lax.dot_general(a[...], b[...], (((1,), (1,)), ((), ())),
                           preferred_element_type=jnp.float32)
    o[...] = jax.nn.sigmoid(prod)


def _kD(zr8):
    grid = (pl.cdiv(N, BM), pl.cdiv(N, BN))
    return pl.pallas_call(
        _d_body,
        grid=grid,
        compiler_params=pltpu.CompilerParams(
            vmem_limit_bytes=114 * 1024 * 1024),
        in_specs=[
            pl.BlockSpec((BM, 8), lambda i, j: (i, 0)),
            pl.BlockSpec((BN, 8), lambda i, j: (j, 0)),
        ],
        out_specs=pl.BlockSpec((BM, BN), lambda i, j: (i, j)),
        out_shape=jax.ShapeDtypeStruct((N, N), jnp.float32),
    )(zr8, zr8)



def kernel(x, edge_index, W1, b1, W2, b2, Wmu, bmu, Wlv, blv):
    ei = edge_index.astype(jnp.int32)
    pad = E_PAD - E
    src_p = jnp.concatenate([ei[0], jnp.zeros((pad,), jnp.int32)])
    dst_p = jnp.concatenate([ei[1], jnp.full((pad,), TRASH, jnp.int32)])
    src3 = src_p.reshape(NW, NCH, CH)
    dst3 = dst_p.reshape(NW, NCH, CH)
    zeros_rw = jnp.zeros((R, DW), jnp.float32)
    ones_cw = jnp.ones((CH, DW), jnp.float32)

    degp = _deg_kernel(dst3, zeros_rw, ones_cw)
    y1, dinv = _kA(degp, x, W1)
    p1 = _scatter_kernel(y1, src3, dst3)
    y2 = _kB(p1, y1, dinv, b1.reshape(1, D), W2)
    p2 = _scatter_kernel(y2, src3, dst3)
    eps = jax.random.normal(jax.random.key(1), (N, C), jnp.float32)
    mu, logvar, zr8 = _kC(p2, y2, dinv, b2.reshape(1, D), Wmu,
                          bmu.reshape(1, C), Wlv, blv.reshape(1, C), eps)
    adj = _kD(zr8)
    return adj, mu, logvar

# --- scband reference (transcript-rebuilt; emitter-appended) ---
"""Pipeline reference for scband-vmgae-11433202942400 (READ-ONLY COPY).

The authoritative reference and input builder live on the scoring server;
editing this copy changes nothing except your own understanding.
"""

import jax, jax.numpy as jnp
import numpy as np

N_NODES = 10000
NUM_FEATURES = 128
HIDDEN_DIM = 64
OUT_DIM = 64
NUM_CLUSTERS = 3
N_EDGES = 160000


def gcn_conv(x, edge_index, W, b, num_nodes):
    # PyG-style GCNConv: add self loops, symmetric normalization, scatter-add aggregation
    src = edge_index[0]
    dst = edge_index[1]
    loop = jnp.arange(num_nodes, dtype=edge_index.dtype)
    src = jnp.concatenate([src, loop])
    dst = jnp.concatenate([dst, loop])
    deg = jnp.zeros((num_nodes,), dtype=x.dtype).at[dst].add(1.0)
    deg_inv_sqrt = jnp.where(deg > 0, 1.0 / jnp.sqrt(deg), 0.0)
    norm = deg_inv_sqrt[src] * deg_inv_sqrt[dst]
    xw = x @ W
    msg = xw[src] * norm[:, None]
    out = jnp.zeros((num_nodes, W.shape[1]), dtype=xw.dtype).at[dst].add(msg)
    return out + b


def setup_inputs(seed: int = 0) -> dict:
    key = jax.random.key(seed)
    ks = jax.random.split(key, 12)
    x = jax.random.normal(ks[0], (N_NODES, NUM_FEATURES), dtype=jnp.float32)
    edge_index = jax.random.randint(ks[1], (2, N_EDGES), 0, N_NODES, dtype=jnp.int64)
    W1 = jax.random.normal(ks[2], (NUM_FEATURES, HIDDEN_DIM), dtype=jnp.float32) * (1.0 / np.sqrt(NUM_FEATURES))
    b1 = jnp.zeros((HIDDEN_DIM,), dtype=jnp.float32)
    W2 = jax.random.normal(ks[3], (HIDDEN_DIM, OUT_DIM), dtype=jnp.float32) * (1.0 / np.sqrt(HIDDEN_DIM))
    b2 = jnp.zeros((OUT_DIM,), dtype=jnp.float32)
    Wmu = jax.random.normal(ks[4], (OUT_DIM, NUM_CLUSTERS), dtype=jnp.float32) * (1.0 / np.sqrt(OUT_DIM))
    bmu = jnp.zeros((NUM_CLUSTERS,), dtype=jnp.float32)
    Wlv = jax.random.normal(ks[5], (OUT_DIM, NUM_CLUSTERS), dtype=jnp.float32) * (1.0 / np.sqrt(OUT_DIM))
    blv = jnp.zeros((NUM_CLUSTERS,), dtype=jnp.float32)
    return {"x": x, "edge_index": edge_index, "W1": W1, "b1": b1, "W2": W2, "b2": b2,
            "Wmu": Wmu, "bmu": bmu, "Wlv": Wlv, "blv": blv}


def reference(x, edge_index, W1, b1, W2, b2, Wmu, bmu, Wlv, blv):
    num_nodes = x.shape[0]
    h = jax.nn.relu(gcn_conv(x, edge_index, W1, b1, num_nodes))
    z = gcn_conv(h, edge_index, W2, b2, num_nodes)
    mu = z @ Wmu + bmu
    logvar = z @ Wlv + blv
    std = jnp.exp(0.5 * logvar)
    eps = jax.random.normal(jax.random.key(1), std.shape, dtype=std.dtype)
    z_rep = mu + eps * std
    adj_recon = jax.nn.sigmoid(z_rep @ z_rep.T)
    return (adj_recon, mu, logvar)

if __name__ == "__main__":
    import jax
    _d = setup_inputs()
    print(jax.jit(kernel)(*tuple(_d.values())))

</pallas_src>

<mosaic_0001>
#map = affine_map<(d0, d1) -> (0, 0, 0)>
#map1 = affine_map<(d0, d1) -> (0, 0)>
module attributes {stable_mosaic.version = 14 : i64} {
  func.func @_deg_kernel(%arg0: i32, %arg1: i32, %arg2: memref<32x40x128xi32, #tpu.memory_space<hbm>>, %arg3: memref<10240x16xf32, #tpu.memory_space<hbm>>, %arg4: memref<128x16xf32, #tpu.memory_space<hbm>>, %arg5: memref<2x10240x16xf32, #tpu.memory_space<hbm>>, %arg6: memref<40x128xi32, #tpu.memory_space<vmem>>, %arg7: memref<128x16xf32, #tpu.memory_space<vmem>>, %arg8: memref<10240x16xf32, #tpu.memory_space<vmem_shared>>, %arg9: memref<!tpu.dma_semaphore, #tpu.memory_space<semaphore_mem>>) attributes {dimension_semantics = [#tpu.dimension_semantics<core_parallel>, #tpu.dimension_semantics<subcore_parallel>], iteration_bounds = array<i64: 2, 16>, scalar_prefetch = 0 : i64, scratch_operands = 4 : i64, tpu.core_type = #tpu.core_type<sc_vector_subcore>, window_params = [{transform_indices = #map}, {transform_indices = #map1}, {transform_indices = #map1}, {transform_indices = #map}]} {
    %mul3A = arith.constant 2 : i32
    %mul3A_0 = arith.muli %arg1, %mul3A : i32
    %add3A = arith.addi %mul3A_0, %arg0 : i32
    "tpu.region"() ({
      %run_scoped3A = tpu.sem_alloc : memref<!tpu.dma_semaphore, #tpu.memory_space<semaphore_mem>>
      %dma_start3A = arith.constant 0 : i32
      %dma_start3A_21 = arith.constant 0 : i32
      %dma_start3A_22 = tpu.memref_slice %arg2[%add3A, %dma_start3A, %dma_start3A_21] : memref<32x40x128xi32, #tpu.memory_space<hbm>> -> memref<1x40x128xi32, #tpu.memory_space<hbm>>
      %dma_start3A_23 = tpu.memref_squeeze %dma_start3A_22 : memref<1x40x128xi32, #tpu.memory_space<hbm>> -> memref<40x128xi32, #tpu.memory_space<hbm>>
      %dma_start3A_24 = arith.constant 0 : i32
      %dma_start3A_25 = arith.constant 0 : i32
      %dma_start3A_26 = tpu.memref_slice %arg2[%add3A, %dma_start3A_24, %dma_start3A_25] : memref<32x40x128xi32, #tpu.memory_space<hbm>> -> memref<1x40x128xi32, #tpu.memory_space<hbm>>
      %dma_start3A_27 = tpu.memref_squeeze %dma_start3A_26 : memref<1x40x128xi32, #tpu.memory_space<hbm>> -> memref<40x128xi32, #tpu.memory_space<hbm>>
      tpu.enqueue_dma source(%dma_start3A_27 : memref<40x128xi32, #tpu.memory_space<hbm>>) target(%arg6 : memref<40x128xi32, #tpu.memory_space<vmem>>) target_semaphore(%run_scoped3A : memref<!tpu.dma_semaphore, #tpu.memory_space<semaphore_mem>>)
      %dma_wait3A = arith.constant 0 : i32
      %dma_wait3A_28 = arith.constant 0 : i32
      %dma_wait3A_29 = tpu.memref_slice %arg2[%add3A, %dma_wait3A, %dma_wait3A_28] : memref<32x40x128xi32, #tpu.memory_space<hbm>> -> memref<1x40x128xi32, #tpu.memory_space<hbm>>
      %dma_wait3A_30 = tpu.memref_squeeze %dma_wait3A_29 : memref<1x40x128xi32, #tpu.memory_space<hbm>> -> memref<40x128xi32, #tpu.memory_space<hbm>>
      %dma_wait3A_31 = arith.constant 0 : i32
      %dma_wait3A_32 = arith.constant 0 : i32
      %dma_wait3A_33 = tpu.memref_slice %arg2[%add3A, %dma_wait3A_31, %dma_wait3A_32] : memref<32x40x128xi32, #tpu.memory_space<hbm>> -> memref<1x40x128xi32, #tpu.memory_space<hbm>>
      %dma_wait3A_34 = tpu.memref_squeeze %dma_wait3A_33 : memref<1x40x128xi32, #tpu.memory_space<hbm>> -> memref<40x128xi32, #tpu.memory_space<hbm>>
      tpu.wait_dma2 semaphore(%run_scoped3A : memref<!tpu.dma_semaphore, #tpu.memory_space<semaphore_mem>>) src(%dma_wait3A_34 : memref<40x128xi32, #tpu.memory_space<hbm>>) dst(%arg6 : memref<40x128xi32, #tpu.memory_space<vmem>>)
      tpu.yield
    }) : () -> ()
    "tpu.region"() ({
      %run_scoped3A = tpu.sem_alloc : memref<!tpu.dma_semaphore, #tpu.memory_space<semaphore_mem>>
      tpu.enqueue_dma source(%arg4 : memref<128x16xf32, #tpu.memory_space<hbm>>) target(%arg7 : memref<128x16xf32, #tpu.memory_space<vmem>>) target_semaphore(%run_scoped3A : memref<!tpu.dma_semaphore, #tpu.memory_space<semaphore_mem>>)
      tpu.wait_dma2 semaphore(%run_scoped3A : memref<!tpu.dma_semaphore, #tpu.memory_space<semaphore_mem>>) src(%arg4 : memref<128x16xf32, #tpu.memory_space<hbm>>) dst(%arg7 : memref<128x16xf32, #tpu.memory_space<vmem>>)
      tpu.yield
    }) : () -> ()
    %mul3A_1 = arith.constant 640 : i32
    %mul3A_2 = arith.muli %arg1, %mul3A_1 : i32
    %mul3A_3 = arith.constant 640 : i32
    %mul3A_4 = arith.muli %arg1, %mul3A_3 : i32
    "tpu.region"() ({
      %run_scoped3A = tpu.sem_alloc : memref<!tpu.dma_semaphore, #tpu.memory_space<semaphore_mem>>
      %dma_start3A = arith.constant 0 : i32
      %dma_start3A_21 = tpu.memref_slice %arg8[%mul3A_4, %dma_start3A] : memref<10240x16xf32, #tpu.memory_space<vmem_shared>> -> memref<640x16xf32, #tpu.memory_space<vmem_shared>>
      %dma_start3A_22 = arith.constant 0 : i32
      %dma_start3A_23 = tpu.memref_slice %arg3[%mul3A_2, %dma_start3A_22] : memref<10240x16xf32, #tpu.memory_space<hbm>> -> memref<640x16xf32, #tpu.memory_space<hbm>>
      tpu.enqueue_dma source(%dma_start3A_23 : memref<640x16xf32, #tpu.memory_space<hbm>>) target(%dma_start3A_21 : memref<640x16xf32, #tpu.memory_space<vmem_shared>>) target_semaphore(%run_scoped3A : memref<!tpu.dma_semaphore, #tpu.memory_space<semaphore_mem>>)
      %dma_wait3A = arith.constant 0 : i32
      %dma_wait3A_24 = tpu.memref_slice %arg8[%mul3A_4, %dma_wait3A] : memref<10240x16xf32, #tpu.memory_space<vmem_shared>> -> memref<640x16xf32, #tpu.memory_space<vmem_shared>>
      %dma_wait3A_25 = arith.constant 0 : i32
      %dma_wait3A_26 = tpu.memref_slice %arg3[%mul3A_2, %dma_wait3A_25] : memref<10240x16xf32, #tpu.memory_space<hbm>> -> memref<640x16xf32, #tpu.memory_space<hbm>>
      tpu.wait_dma2 semaphore(%run_scoped3A : memref<!tpu.dma_semaphore, #tpu.memory_space<semaphore_mem>>) src(%dma_wait3A_26 : memref<640x16xf32, #tpu.memory_space<hbm>>) dst(%dma_wait3A_24 : memref<640x16xf32, #tpu.memory_space<vmem_shared>>)
      tpu.yield
    }) : () -> ()
    %barrier3A = arith.constant 0 : index
    tpu.barrier barrier_id(%barrier3A)
    %scan3A = arith.constant 0 : i32
    %scan3A_5 = arith.constant 0 : i32
    %scan3A_6 = arith.constant 40 : i32
    %scan3A_7 = arith.addi %scan3A_5, %scan3A_6 : i32
    %scan3A_8 = arith.constant 1 : i32
    scf.for %scan3A_21 = %scan3A_5 to %scan3A_7 step %scan3A_8  : i32 {
      %dma_start3A = arith.constant 0 : i32
      %dma_start3A_22 = tpu.memref_slice %arg6[%scan3A_21, %dma_start3A] : memref<40x128xi32, #tpu.memory_space<vmem>> -> memref<1x128xi32, #tpu.memory_space<vmem>>
      %dma_start3A_23 = tpu.memref_squeeze %dma_start3A_22 : memref<1x128xi32, #tpu.memory_space<vmem>> -> memref<128xi32, #tpu.memory_space<vmem>>
      %dma_start3A_24 = arith.constant 0 : i32
      %dma_start3A_25 = arith.constant 0 : i32
      %dma_start3A_26 = tpu.memref_slice %arg8[%dma_start3A_24, %dma_start3A_25] : memref<10240x16xf32, #tpu.memory_space<vmem_shared>> -> memref<10240x16xf32, #tpu.memory_space<vmem_shared>>
      tpu.enqueue_indirect_dma source(%arg7 : memref<128x16xf32, #tpu.memory_space<vmem>>) target(%dma_start3A_26 : memref<10240x16xf32, #tpu.memory_space<vmem_shared>>) offsets(%dma_start3A_23 : memref<128xi32, #tpu.memory_space<vmem>>) semaphore(%arg9 : memref<!tpu.dma_semaphore, #tpu.memory_space<semaphore_mem>>) {add = true}
    }
    %scan3A_9 = arith.constant 40 : i32
    %scan3A_10 = arith.constant 0 : i32
    %scan3A_11 = arith.constant 0 : i32
    %scan3A_12 = arith.constant 40 : i32
    %scan3A_13 = arith.addi %scan3A_11, %scan3A_12 : i32
    %scan3A_14 = arith.constant 1 : i32
    scf.for %scan3A_21 = %scan3A_11 to %scan3A_13 step %scan3A_14  : i32 {
      %dma_wait3A = arith.constant 0 : i32
      %dma_wait3A_22 = tpu.memref_slice %arg6[%scan3A_21, %dma_wait3A] : memref<40x128xi32, #tpu.memory_space<vmem>> -> memref<1x128xi32, #tpu.memory_space<vmem>>
      %dma_wait3A_23 = tpu.memref_squeeze %dma_wait3A_22 : memref<1x128xi32, #tpu.memory_space<vmem>> -> memref<128xi32, #tpu.memory_space<vmem>>
      %dma_wait3A_24 = arith.constant 0 : i32
      %dma_wait3A_25 = arith.constant 0 : i32
      %dma_wait3A_26 = tpu.memref_slice %arg8[%dma_wait3A_24, %dma_wait3A_25] : memref<10240x16xf32, #tpu.memory_space<vmem_shared>> -> memref<10240x16xf32, #tpu.memory_space<vmem_shared>>
      tpu.wait_indirect_dma semaphore(%arg9 : memref<!tpu.dma_semaphore, #tpu.memory_space<semaphore_mem>>) src(%arg7 : memref<128x16xf32, #tpu.memory_space<vmem>>) dst(%dma_wait3A_26 : memref<10240x16xf32, #tpu.memory_space<vmem_shared>>)
    }
    %scan3A_15 = arith.constant 40 : i32
    %barrier3A_16 = arith.constant 0 : index
    tpu.barrier barrier_id(%barrier3A_16)
    %mul3A_17 = arith.constant 640 : i32
    %mul3A_18 = arith.muli %arg1, %mul3A_17 : i32
    %mul3A_19 = arith.constant 640 : i32
    %mul3A_20 = arith.muli %arg1, %mul3A_19 : i32
    "tpu.region"() ({
      %run_scoped3A = tpu.sem_alloc : memref<!tpu.dma_semaphore, #tpu.memory_space<semaphore_mem>>
      %dma_start3A = arith.constant 0 : i32
      %dma_start3A_21 = tpu.memref_slice %arg5[%arg0, %mul3A_20, %dma_start3A] : memref<2x10240x16xf32, #tpu.memory_space<hbm>> -> memref<1x640x16xf32, #tpu.memory_space<hbm>>
      %dma_start3A_22 = tpu.memref_squeeze %dma_start3A_21 : memref<1x640x16xf32, #tpu.memory_space<hbm>> -> memref<640x16xf32, #tpu.memory_space<hbm>>
      %dma_start3A_23 = arith.constant 0 : i32
      %dma_start3A_24 = tpu.memref_slice %arg8[%mul3A_18, %dma_start3A_23] : memref<10240x16xf32, #tpu.memory_space<vmem_shared>> -> memref<640x16xf32, #tpu.memory_space<vmem_shared>>
      tpu.enqueue_dma source(%dma_start3A_24 : memref<640x16xf32, #tpu.memory_space<vmem_shared>>) target(%dma_start3A_22 : memref<640x16xf32, #tpu.memory_space<hbm>>) target_semaphore(%run_scoped3A : memref<!tpu.dma_semaphore, #tpu.memory_space<semaphore_mem>>)
      %dma_wait3A = arith.constant 0 : i32
      %dma_wait3A_25 = tpu.memref_slice %arg5[%arg0, %mul3A_20, %dma_wait3A] : memref<2x10240x16xf32, #tpu.memory_space<hbm>> -> memref<1x640x16xf32, #tpu.memory_space<hbm>>
      %dma_wait3A_26 = tpu.memref_squeeze %dma_wait3A_25 : memref<1x640x16xf32, #tpu.memory_space<hbm>> -> memref<640x16xf32, #tpu.memory_space<hbm>>
      %dma_wait3A_27 = arith.constant 0 : i32
      %dma_wait3A_28 = tpu.memref_slice %arg8[%mul3A_18, %dma_wait3A_27] : memref<10240x16xf32, #tpu.memory_space<vmem_shared>> -> memref<640x16xf32, #tpu.memory_space<vmem_shared>>
      tpu.wait_dma2 semaphore(%run_scoped3A : memref<!tpu.dma_semaphore, #tpu.memory_space<semaphore_mem>>) src(%dma_wait3A_28 : memref<640x16xf32, #tpu.memory_space<vmem_shared>>) dst(%dma_wait3A_26 : memref<640x16xf32, #tpu.memory_space<hbm>>)
      tpu.yield
    }) : () -> ()
    return
  }
}

#map = affine_map<(d0, d1) -> (0, 0)>
#map1 = affine_map<(d0, d1) -> (0, 0, 0)>
module attributes {stable_mosaic.version = 14 : i64} {
  func.func @_scatter_kernel(%arg0: i32, %arg1: i32, %arg2: memref<10240x64xf32, #tpu.memory_space<hbm>>, %arg3: memref<32x40x128xi32, #tpu.memory_space<hbm>>, %arg4: memref<32x40x128xi32, #tpu.memory_space<hbm>>, %arg5: memref<2x10240x64xf32, #tpu.memory_space<hbm>>, %arg6: memref<40x128xi32, #tpu.memory_space<vmem>>, %arg7: memref<40x128xi32, #tpu.memory_space<vmem>>, %arg8: memref<128x64xf32, #tpu.memory_space<vmem>>, %arg9: memref<128x64xf32, #tpu.memory_space<vmem>>, %arg10: memref<128x64xf32, #tpu.memory_space<vmem>>, %arg11: memref<128x64xf32, #tpu.memory_space<vmem>>, %arg12: memref<10240x64xf32, #tpu.memory_space<vmem_shared>>, %arg13: memref<10240x64xf32, #tpu.memory_space<vmem_shared>>, %arg14: memref<!tpu.dma_semaphore, #tpu.memory_space<semaphore_mem>>, %arg15: memref<!tpu.dma_semaphore, #tpu.memory_space<semaphore_mem>>, %arg16: memref<!tpu.dma_semaphore, #tpu.memory_space<semaphore_mem>>, %arg17: memref<!tpu.dma_semaphore, #tpu.memory_space<semaphore_mem>>, %arg18: memref<!tpu.dma_semaphore, #tpu.memory_space<semaphore_mem>>, %arg19: memref<!tpu.dma_semaphore, #tpu.memory_space<semaphore_mem>>, %arg20: memref<!tpu.dma_semaphore, #tpu.memory_space<semaphore_mem>>, %arg21: memref<!tpu.dma_semaphore, #tpu.memory_space<semaphore_mem>>) attributes {dimension_semantics = [#tpu.dimension_semantics<core_parallel>, #tpu.dimension_semantics<subcore_parallel>], iteration_bounds = array<i64: 2, 16>, scalar_prefetch = 0 : i64, scratch_operands = 16 : i64, tpu.core_type = #tpu.core_type<sc_vector_subcore>, window_params = [{transform_indices = #map}, {transform_indices = #map1}, {transform_indices = #map1}, {transform_indices = #map1}]} {
    %mul3A = arith.constant 2 : i32
    %mul3A_0 = arith.muli %arg1, %mul3A : i32
    %add3A = arith.addi %mul3A_0, %arg0 : i32
    "tpu.region"() ({
      %run_scoped3A = tpu.sem_alloc : memref<!tpu.dma_semaphore, #tpu.memory_space<semaphore_mem>>
      %dma_start3A_46 = arith.constant 0 : i32
      %dma_start3A_47 = arith.constant 0 : i32
      %dma_start3A_48 = tpu.memref_slice %arg3[%add3A, %dma_start3A_46, %dma_start3A_47] : memref<32x40x128xi32, #tpu.memory_space<hbm>> -> memref<1x40x128xi32, #tpu.memory_space<hbm>>
      %dma_start3A_49 = tpu.memref_squeeze %dma_start3A_48 : memref<1x40x128xi32, #tpu.memory_space<hbm>> -> memref<40x128xi32, #tpu.memory_space<hbm>>
      %dma_start3A_50 = arith.constant 0 : i32
      %dma_start3A_51 = arith.constant 0 : i32
      %dma_start3A_52 = tpu.memref_slice %arg3[%add3A, %dma_start3A_50, %dma_start3A_51] : memref<32x40x128xi32, #tpu.memory_space<hbm>> -> memref<1x40x128xi32, #tpu.memory_space<hbm>>
      %dma_start3A_53 = tpu.memref_squeeze %dma_start3A_52 : memref<1x40x128xi32, #tpu.memory_space<hbm>> -> memref<40x128xi32, #tpu.memory_space<hbm>>
      tpu.enqueue_dma source(%dma_start3A_53 : memref<40x128xi32, #tpu.memory_space<hbm>>) target(%arg6 : memref<40x128xi32, #tpu.memory_space<vmem>>) target_semaphore(%run_scoped3A : memref<!tpu.dma_semaphore, #tpu.memory_space<semaphore_mem>>)
      %dma_wait3A = arith.constant 0 : i32
      %dma_wait3A_54 = arith.constant 0 : i32
      %dma_wait3A_55 = tpu.memref_slice %arg3[%add3A, %dma_wait3A, %dma_wait3A_54] : memref<32x40x128xi32, #tpu.memory_space<hbm>> -> memref<1x40x128xi32, #tpu.memory_space<hbm>>
      %dma_wait3A_56 = tpu.memref_squeeze %dma_wait3A_55 : memref<1x40x128xi32, #tpu.memory_space<hbm>> -> memref<40x128xi32, #tpu.memory_space<hbm>>
      %dma_wait3A_57 = arith.constant 0 : i32
      %dma_wait3A_58 = arith.constant 0 : i32
      %dma_wait3A_59 = tpu.memref_slice %arg3[%add3A, %dma_wait3A_57, %dma_wait3A_58] : memref<32x40x128xi32, #tpu.memory_space<hbm>> -> memref<1x40x128xi32, #tpu.memory_space<hbm>>
      %dma_wait3A_60 = tpu.memref_squeeze %dma_wait3A_59 : memref<1x40x128xi32, #tpu.memory_space<hbm>> -> memref<40x128xi32, #tpu.memory_space<hbm>>
      tpu.wait_dma2 semaphore(%run_scoped3A : memref<!tpu.dma_semaphore, #tpu.memory_space<semaphore_mem>>) src(%dma_wait3A_60 : memref<40x128xi32, #tpu.memory_space<hbm>>) dst(%arg6 : memref<40x128xi32, #tpu.memory_space<vmem>>)
      tpu.yield
    }) : () -> ()
    "tpu.region"() ({
      %run_scoped3A = tpu.sem_alloc : memref<!tpu.dma_semaphore, #tpu.memory_space<semaphore_mem>>
      %dma_start3A_46 = arith.constant 0 : i32
      %dma_start3A_47 = arith.constant 0 : i32
      %dma_start3A_48 = tpu.memref_slice %arg4[%add3A, %dma_start3A_46, %dma_start3A_47] : memref<32x40x128xi32, #tpu.memory_space<hbm>> -> memref<1x40x128xi32, #tpu.memory_space<hbm>>
      %dma_start3A_49 = tpu.memref_squeeze %dma_start3A_48 : memref<1x40x128xi32, #tpu.memory_space<hbm>> -> memref<40x128xi32, #tpu.memory_space<hbm>>
      %dma_start3A_50 = arith.constant 0 : i32
      %dma_start3A_51 = arith.constant 0 : i32
      %dma_start3A_52 = tpu.memref_slice %arg4[%add3A, %dma_start3A_50, %dma_start3A_51] : memref<32x40x128xi32, #tpu.memory_space<hbm>> -> memref<1x40x128xi32, #tpu.memory_space<hbm>>
      %dma_start3A_53 = tpu.memref_squeeze %dma_start3A_52 : memref<1x40x128xi32, #tpu.memory_space<hbm>> -> memref<40x128xi32, #tpu.memory_space<hbm>>
      tpu.enqueue_dma source(%dma_start3A_53 : memref<40x128xi32, #tpu.memory_space<hbm>>) target(%arg7 : memref<40x128xi32, #tpu.memory_space<vmem>>) target_semaphore(%run_scoped3A : memref<!tpu.dma_semaphore, #tpu.memory_space<semaphore_mem>>)
      %dma_wait3A = arith.constant 0 : i32
      %dma_wait3A_54 = arith.constant 0 : i32
      %dma_wait3A_55 = tpu.memref_slice %arg4[%add3A, %dma_wait3A, %dma_wait3A_54] : memref<32x40x128xi32, #tpu.memory_space<hbm>> -> memref<1x40x128xi32, #tpu.memory_space<hbm>>
      %dma_wait3A_56 = tpu.memref_squeeze %dma_wait3A_55 : memref<1x40x128xi32, #tpu.memory_space<hbm>> -> memref<40x128xi32, #tpu.memory_space<hbm>>
      %dma_wait3A_57 = arith.constant 0 : i32
      %dma_wait3A_58 = arith.constant 0 : i32
      %dma_wait3A_59 = tpu.memref_slice %arg4[%add3A, %dma_wait3A_57, %dma_wait3A_58] : memref<32x40x128xi32, #tpu.memory_space<hbm>> -> memref<1x40x128xi32, #tpu.memory_space<hbm>>
      %dma_wait3A_60 = tpu.memref_squeeze %dma_wait3A_59 : memref<1x40x128xi32, #tpu.memory_space<hbm>> -> memref<40x128xi32, #tpu.memory_space<hbm>>
      tpu.wait_dma2 semaphore(%run_scoped3A : memref<!tpu.dma_semaphore, #tpu.memory_space<semaphore_mem>>) src(%dma_wait3A_60 : memref<40x128xi32, #tpu.memory_space<hbm>>) dst(%arg7 : memref<40x128xi32, #tpu.memory_space<vmem>>)
      tpu.yield
    }) : () -> ()
    %mul3A_1 = arith.constant 640 : i32
    %mul3A_2 = arith.muli %arg1, %mul3A_1 : i32
    %mul3A_3 = arith.constant 640 : i32
    %mul3A_4 = arith.muli %arg1, %mul3A_3 : i32
    "tpu.region"() ({
      %run_scoped3A = tpu.sem_alloc : memref<!tpu.dma_semaphore, #tpu.memory_space<semaphore_mem>>
      %dma_start3A_46 = arith.constant 0 : i32
      %dma_start3A_47 = tpu.memref_slice %arg12[%mul3A_4, %dma_start3A_46] : memref<10240x64xf32, #tpu.memory_space<vmem_shared>> -> memref<640x64xf32, #tpu.memory_space<vmem_shared>>
      %dma_start3A_48 = arith.constant 0 : i32
      %dma_start3A_49 = tpu.memref_slice %arg2[%mul3A_2, %dma_start3A_48] : memref<10240x64xf32, #tpu.memory_space<hbm>> -> memref<640x64xf32, #tpu.memory_space<hbm>>
      tpu.enqueue_dma source(%dma_start3A_49 : memref<640x64xf32, #tpu.memory_space<hbm>>) target(%dma_start3A_47 : memref<640x64xf32, #tpu.memory_space<vmem_shared>>) target_semaphore(%run_scoped3A : memref<!tpu.dma_semaphore, #tpu.memory_space<semaphore_mem>>)
      %dma_wait3A = arith.constant 0 : i32
      %dma_wait3A_50 = tpu.memref_slice %arg12[%mul3A_4, %dma_wait3A] : memref<10240x64xf32, #tpu.memory_space<vmem_shared>> -> memref<640x64xf32, #tpu.memory_space<vmem_shared>>
      %dma_wait3A_51 = arith.constant 0 : i32
      %dma_wait3A_52 = tpu.memref_slice %arg2[%mul3A_2, %dma_wait3A_51] : memref<10240x64xf32, #tpu.memory_space<hbm>> -> memref<640x64xf32, #tpu.memory_space<hbm>>
      tpu.wait_dma2 semaphore(%run_scoped3A : memref<!tpu.dma_semaphore, #tpu.memory_space<semaphore_mem>>) src(%dma_wait3A_52 : memref<640x64xf32, #tpu.memory_space<hbm>>) dst(%dma_wait3A_50 : memref<640x64xf32, #tpu.memory_space<vmem_shared>>)
      tpu.yield
    }) : () -> ()
    %mul3A_5 = arith.constant 640 : i32
    %mul3A_6 = arith.muli %arg1, %mul3A_5 : i32
    %mul3A_7 = arith.constant 640 : i32
    %mul3A_8 = arith.muli %arg1, %mul3A_7 : i32
    "tpu.region"() ({
      %run_scoped3A = tpu.sem_alloc : memref<!tpu.dma_semaphore, #tpu.memory_space<semaphore_mem>>
      %dma_start3A_46 = arith.constant 0 : i32
      %dma_start3A_47 = tpu.memref_slice %arg13[%mul3A_8, %dma_start3A_46] : memref<10240x64xf32, #tpu.memory_space<vmem_shared>> -> memref<640x64xf32, #tpu.memory_space<vmem_shared>>
      %dma_start3A_48 = arith.constant 0 : i32
      %dma_start3A_49 = tpu.memref_slice %arg2[%mul3A_6, %dma_start3A_48] : memref<10240x64xf32, #tpu.memory_space<hbm>> -> memref<640x64xf32, #tpu.memory_space<hbm>>
      tpu.enqueue_dma source(%dma_start3A_49 : memref<640x64xf32, #tpu.memory_space<hbm>>) target(%dma_start3A_47 : memref<640x64xf32, #tpu.memory_space<vmem_shared>>) target_semaphore(%run_scoped3A : memref<!tpu.dma_semaphore, #tpu.memory_space<semaphore_mem>>)
      %dma_wait3A = arith.constant 0 : i32
      %dma_wait3A_50 = tpu.memref_slice %arg13[%mul3A_8, %dma_wait3A] : memref<10240x64xf32, #tpu.memory_space<vmem_shared>> -> memref<640x64xf32, #tpu.memory_space<vmem_shared>>
      %dma_wait3A_51 = arith.constant 0 : i32
      %dma_wait3A_52 = tpu.memref_slice %arg2[%mul3A_6, %dma_wait3A_51] : memref<10240x64xf32, #tpu.memory_space<hbm>> -> memref<640x64xf32, #tpu.memory_space<hbm>>
      tpu.wait_dma2 semaphore(%run_scoped3A : memref<!tpu.dma_semaphore, #tpu.memory_space<semaphore_mem>>) src(%dma_wait3A_52 : memref<640x64xf32, #tpu.memory_space<hbm>>) dst(%dma_wait3A_50 : memref<640x64xf32, #tpu.memory_space<vmem_shared>>)
      tpu.yield
    }) : () -> ()
    %barrier3A = arith.constant 0 : index
    tpu.barrier barrier_id(%barrier3A)
    %dma_start3A = arith.constant 0 : i32
    %dma_start3A_9 = arith.constant 0 : i32
    %dma_start3A_10 = tpu.memref_slice %arg6[%dma_start3A, %dma_start3A_9] : memref<40x128xi32, #tpu.memory_space<vmem>> -> memref<1x128xi32, #tpu.memory_space<vmem>>
    %dma_start3A_11 = tpu.memref_squeeze %dma_start3A_10 : memref<1x128xi32, #tpu.memory_space<vmem>> -> memref<128xi32, #tpu.memory_space<vmem>>
    %dma_start3A_12 = arith.constant 0 : i32
    %dma_start3A_13 = arith.constant 0 : i32
    %dma_start3A_14 = tpu.memref_slice %arg13[%dma_start3A_12, %dma_start3A_13] : memref<10240x64xf32, #tpu.memory_space<vmem_shared>> -> memref<10240x64xf32, #tpu.memory_space<vmem_shared>>
    tpu.enqueue_indirect_dma source(%dma_start3A_14 : memref<10240x64xf32, #tpu.memory_space<vmem_shared>>) target(%arg8 : memref<128x64xf32, #tpu.memory_space<vmem>>) offsets(%dma_start3A_11 : memref<128xi32, #tpu.memory_space<vmem>>) semaphore(%arg14 : memref<!tpu.dma_semaphore, #tpu.memory_space<semaphore_mem>>)
    %dma_start3A_15 = arith.constant 1 : i32
    %dma_start3A_16 = arith.constant 0 : i32
    %dma_start3A_17 = tpu.memref_slice %arg6[%dma_start3A_15, %dma_start3A_16] : memref<40x128xi32, #tpu.memory_space<vmem>> -> memref<1x128xi32, #tpu.memory_space<vmem>>
    %dma_start3A_18 = tpu.memref_squeeze %dma_start3A_17 : memref<1x128xi32, #tpu.memory_space<vmem>> -> memref<128xi32, #tpu.memory_space<vmem>>
    %dma_start3A_19 = arith.constant 0 : i32
    %dma_start3A_20 = arith.constant 0 : i32
    %dma_start3A_21 = tpu.memref_slice %arg13[%dma_start3A_19, %dma_start3A_20] : memref<10240x64xf32, #tpu.memory_space<vmem_shared>> -> memref<10240x64xf32, #tpu.memory_space<vmem_shared>>
    tpu.enqueue_indirect_dma source(%dma_start3A_21 : memref<10240x64xf32, #tpu.memory_space<vmem_shared>>) target(%arg9 : memref<128x64xf32, #tpu.memory_space<vmem>>) offsets(%dma_start3A_18 : memref<128xi32, #tpu.memory_space<vmem>>) semaphore(%arg15 : memref<!tpu.dma_semaphore, #tpu.memory_space<semaphore_mem>>)
    %dma_start3A_22 = arith.constant 2 : i32
    %dma_start3A_23 = arith.constant 0 : i32
    %dma_start3A_24 = tpu.memref_slice %arg6[%dma_start3A_22, %dma_start3A_23] : memref<40x128xi32, #tpu.memory_space<vmem>> -> memref<1x128xi32, #tpu.memory_space<vmem>>
    %dma_start3A_25 = tpu.memref_squeeze %dma_start3A_24 : memref<1x128xi32, #tpu.memory_space<vmem>> -> memref<128xi32, #tpu.memory_space<vmem>>
    %dma_start3A_26 = arith.constant 0 : i32
    %dma_start3A_27 = arith.constant 0 : i32
    %dma_start3A_28 = tpu.memref_slice %arg13[%dma_start3A_26, %dma_start3A_27] : memref<10240x64xf32, #tpu.memory_space<vmem_shared>> -> memref<10240x64xf32, #tpu.memory_space<vmem_shared>>
    tpu.enqueue_indirect_dma source(%dma_start3A_28 : memref<10240x64xf32, #tpu.memory_space<vmem_shared>>) target(%arg10 : memref<128x64xf32, #tpu.memory_space<vmem>>) offsets(%dma_start3A_25 : memref<128xi32, #tpu.memory_space<vmem>>) semaphore(%arg16 : memref<!tpu.dma_semaphore, #tpu.memory_space<semaphore_mem>>)
    %dma_start3A_29 = arith.constant 3 : i32
    %dma_start3A_30 = arith.constant 0 : i32
    %dma_start3A_31 = tpu.memref_slice %arg6[%dma_start3A_29, %dma_start3A_30] : memref<40x128xi32, #tpu.memory_space<vmem>> -> memref<1x128xi32, #tpu.memory_space<vmem>>
    %dma_start3A_32 = tpu.memref_squeeze %dma_start3A_31 : memref<1x128xi32, #tpu.memory_space<vmem>> -> memref<128xi32, #tpu.memory_space<vmem>>
    %dma_start3A_33 = arith.constant 0 : i32
    %dma_start3A_34 = arith.constant 0 : i32
    %dma_start3A_35 = tpu.memref_slice %arg13[%dma_start3A_33, %dma_start3A_34] : memref<10240x64xf32, #tpu.memory_space<vmem_shared>> -> memref<10240x64xf32, #tpu.memory_space<vmem_shared>>
    tpu.enqueue_indirect_dma source(%dma_start3A_35 : memref<10240x64xf32, #tpu.memory_space<vmem_shared>>) target(%arg11 : memref<128x64xf32, #tpu.memory_space<vmem>>) offsets(%dma_start3A_32 : memref<128xi32, #tpu.memory_space<vmem>>) semaphore(%arg17 : memref<!tpu.dma_semaphore, #tpu.memory_space<semaphore_mem>>)
    %scan3A = arith.constant 0 : i32
    %scan3A_36 = arith.constant 0 : i32
    %scan3A_37 = arith.constant 10 : i32
    %scan3A_38 = arith.addi %scan3A_36, %scan3A_37 : i32
    %scan3A_39 = arith.constant 1 : i32
    scf.for %scan3A_46 = %scan3A_36 to %scan3A_38 step %scan3A_39  : i32 {
      %mul3A_47 = arith.constant 4 : i32
      %mul3A_48 = arith.muli %scan3A_46, %mul3A_47 : i32
      %add3A_49 = arith.constant 0 : i32
      %add3A_50 = arith.addi %mul3A_48, %add3A_49 : i32
      %dma_wait3A = arith.constant 0 : i32
      %dma_wait3A_51 = tpu.memref_slice %arg6[%add3A_50, %dma_wait3A] : memref<40x128xi32, #tpu.memory_space<vmem>> -> memref<1x128xi32, #tpu.memory_space<vmem>>
      %dma_wait3A_52 = tpu.memref_squeeze %dma_wait3A_51 : memref<1x128xi32, #tpu.memory_space<vmem>> -> memref<128xi32, #tpu.memory_space<vmem>>
      %dma_wait3A_53 = arith.constant 0 : i32
      %dma_wait3A_54 = arith.constant 0 : i32
      %dma_wait3A_55 = tpu.memref_slice %arg13[%dma_wait3A_53, %dma_wait3A_54] : memref<10240x64xf32, #tpu.memory_space<vmem_shared>> -> memref<10240x64xf32, #tpu.memory_space<vmem_shared>>
      tpu.wait_indirect_dma semaphore(%arg14 : memref<!tpu.dma_semaphore, #tpu.memory_space<semaphore_mem>>) src(%dma_wait3A_55 : memref<10240x64xf32, #tpu.memory_space<vmem_shared>>) dst(%arg8 : memref<128x64xf32, #tpu.memory_space<vmem>>)
      %add3A_56 = arith.constant 0 : i32
      %add3A_57 = arith.addi %mul3A_48, %add3A_56 : i32
      %dma_start3A_58 = arith.constant 0 : i32
      %dma_start3A_59 = tpu.memref_slice %arg7[%add3A_57, %dma_start3A_58] : memref<40x128xi32, #tpu.memory_space<vmem>> -> memref<1x128xi32, #tpu.memory_space<vmem>>
      %dma_start3A_60 = tpu.memref_squeeze %dma_start3A_59 : memref<1x128xi32, #tpu.memory_space<vmem>> -> memref<128xi32, #tpu.memory_space<vmem>>
      %dma_start3A_61 = arith.constant 0 : i32
      %dma_start3A_62 = arith.constant 0 : i32
      %dma_start3A_63 = tpu.memref_slice %arg12[%dma_start3A_61, %dma_start3A_62] : memref<10240x64xf32, #tpu.memory_space<vmem_shared>> -> memref<10240x64xf32, #tpu.memory_space<vmem_shared>>
      tpu.enqueue_indirect_dma source(%arg8 : memref<128x64xf32, #tpu.memory_space<vmem>>) target(%dma_start3A_63 : memref<10240x64xf32, #tpu.memory_space<vmem_shared>>) offsets(%dma_start3A_60 : memref<128xi32, #tpu.memory_space<vmem>>) semaphore(%arg18 : memref<!tpu.dma_semaphore, #tpu.memory_space<semaphore_mem>>) {add = true}
      %add3A_64 = arith.constant 1 : i32
      %add3A_65 = arith.addi %mul3A_48, %add3A_64 : i32
      %dma_wait3A_66 = arith.constant 0 : i32
      %dma_wait3A_67 = tpu.memref_slice %arg6[%add3A_65, %dma_wait3A_66] : memref<40x128xi32, #tpu.memory_space<vmem>> -> memref<1x128xi32, #tpu.memory_space<vmem>>
      %dma_wait3A_68 = tpu.memref_squeeze %dma_wait3A_67 : memref<1x128xi32, #tpu.memory_space<vmem>> -> memref<128xi32, #tpu.memory_space<vmem>>
      %dma_wait3A_69 = arith.constant 0 : i32
      %dma_wait3A_70 = arith.constant 0 : i32
      %dma_wait3A_71 = tpu.memref_slice %arg13[%dma_wait3A_69, %dma_wait3A_70] : memref<10240x64xf32, #tpu.memory_space<vmem_shared>> -> memref<10240x64xf32, #tpu.memory_space<vmem_shared>>
      tpu.wait_indirect_dma semaphore(%arg15 : memref<!tpu.dma_semaphore, #tpu.memory_space<semaphore_mem>>) src(%dma_wait3A_71 : memref<10240x64xf32, #tpu.memory_space<vmem_shared>>) dst(%arg9 : memref<128x64xf32, #tpu.memory_space<vmem>>)
      %add3A_72 = arith.constant 1 : i32
      %add3A_73 = arith.addi %mul3A_48, %add3A_72 : i32
      %dma_start3A_74 = arith.constant 0 : i32
      %dma_start3A_75 = tpu.memref_slice %arg7[%add3A_73, %dma_start3A_74] : memref<40x128xi32, #tpu.memory_space<vmem>> -> memref<1x128xi32, #tpu.memory_space<vmem>>
      %dma_start3A_76 = tpu.memref_squeeze %dma_start3A_75 : memref<1x128xi32, #tpu.memory_space<vmem>> -> memref<128xi32, #tpu.memory_space<vmem>>
      %dma_start3A_77 = arith.constant 0 : i32
      %dma_start3A_78 = arith.constant 0 : i32
      %dma_start3A_79 = tpu.memref_slice %arg12[%dma_start3A_77, %dma_start3A_78] : memref<10240x64xf32, #tpu.memory_space<vmem_shared>> -> memref<10240x64xf32, #tpu.memory_space<vmem_shared>>
      tpu.enqueue_indirect_dma source(%arg9 : memref<128x64xf32, #tpu.memory_space<vmem>>) target(%dma_start3A_79 : memref<10240x64xf32, #tpu.memory_space<vmem_shared>>) offsets(%dma_start3A_76 : memref<128xi32, #tpu.memory_space<vmem>>) semaphore(%arg19 : memref<!tpu.dma_semaphore, #tpu.memory_space<semaphore_mem>>) {add = true}
      %add3A_80 = arith.constant 2 : i32
      %add3A_81 = arith.addi %mul3A_48, %add3A_80 : i32
      %dma_wait3A_82 = arith.constant 0 : i32
      %dma_wait3A_83 = tpu.memref_slice %arg6[%add3A_81, %dma_wait3A_82] : memref<40x128xi32, #tpu.memory_space<vmem>> -> memref<1x128xi32, #tpu.memory_space<vmem>>
      %dma_wait3A_84 = tpu.memref_squeeze %dma_wait3A_83 : memref<1x128xi32, #tpu.memory_space<vmem>> -> memref<128xi32, #tpu.memory_space<vmem>>
      %dma_wait3A_85 = arith.constant 0 : i32
      %dma_wait3A_86 = arith.constant 0 : i32
      %dma_wait3A_87 = tpu.memref_slice %arg13[%dma_wait3A_85, %dma_wait3A_86] : memref<10240x64xf32, #tpu.memory_space<vmem_shared>> -> memref<10240x64xf32, #tpu.memory_space<vmem_shared>>
      tpu.wait_indirect_dma semaphore(%arg16 : memref<!tpu.dma_semaphore, #tpu.memory_space<semaphore_mem>>) src(%dma_wait3A_87 : memref<10240x64xf32, #tpu.memory_space<vmem_shared>>) dst(%arg10 : memref<128x64xf32, #tpu.memory_space<vmem>>)
      %add3A_88 = arith.constant 2 : i32
      %add3A_89 = arith.addi %mul3A_48, %add3A_88 : i32
      %dma_start3A_90 = arith.constant 0 : i32
      %dma_start3A_91 = tpu.memref_slice %arg7[%add3A_89, %dma_start3A_90] : memref<40x128xi32, #tpu.memory_space<vmem>> -> memref<1x128xi32, #tpu.memory_space<vmem>>
      %dma_start3A_92 = tpu.memref_squeeze %dma_start3A_91 : memref<1x128xi32, #tpu.memory_space<vmem>> -> memref<128xi32, #tpu.memory_space<vmem>>
      %dma_start3A_93 = arith.constant 0 : i32
      %dma_start3A_94 = arith.constant 0 : i32
      %dma_start3A_95 = tpu.memref_slice %arg12[%dma_start3A_93, %dma_start3A_94] : memref<10240x64xf32, #tpu.memory_space<vmem_shared>> -> memref<10240x64xf32, #tpu.memory_space<vmem_shared>>
      tpu.enqueue_indirect_dma source(%arg10 : memref<128x64xf32, #tpu.memory_space<vmem>>) target(%dma_start3A_95 : memref<10240x64xf32, #tpu.memory_space<vmem_shared>>) offsets(%dma_start3A_92 : memref<128xi32, #tpu.memory_space<vmem>>) semaphore(%arg20 : memref<!tpu.dma_semaphore, #tpu.memory_space<semaphore_mem>>) {add = true}
      %add3A_96 = arith.constant 3 : i32
      %add3A_97 = arith.addi %mul3A_48, %add3A_96 : i32
      %dma_wait3A_98 = arith.constant 0 : i32
      %dma_wait3A_99 = tpu.memref_slice %arg6[%add3A_97, %dma_wait3A_98] : memref<40x128xi32, #tpu.memory_space<vmem>> -> memref<1x128xi32, #tpu.memory_space<vmem>>
      %dma_wait3A_100 = tpu.memref_squeeze %dma_wait3A_99 : memref<1x128xi32, #tpu.memory_space<vmem>> -> memref<128xi32, #tpu.memory_space<vmem>>
      %dma_wait3A_101 = arith.constant 0 : i32
      %dma_wait3A_102 = arith.constant 0 : i32
      %dma_wait3A_103 = tpu.memref_slice %arg13[%dma_wait3A_101, %dma_wait3A_102] : memref<10240x64xf32, #tpu.memory_space<vmem_shared>> -> memref<10240x64xf32, #tpu.memory_space<vmem_shared>>
      tpu.wait_indirect_dma semaphore(%arg17 : memref<!tpu.dma_semaphore, #tpu.memory_space<semaphore_mem>>) src(%dma_wait3A_103 : memref<10240x64xf32, #tpu.memory_space<vmem_shared>>) dst(%arg11 : memref<128x64xf32, #tpu.memory_space<vmem>>)
      %add3A_104 = arith.constant 3 : i32
      %add3A_105 = arith.addi %mul3A_48, %add3A_104 : i32
      %dma_start3A_106 = arith.constant 0 : i32
      %dma_start3A_107 = tpu.memref_slice %arg7[%add3A_105, %dma_start3A_106] : memref<40x128xi32, #tpu.memory_space<vmem>> -> memref<1x128xi32, #tpu.memory_space<vmem>>
      %dma_start3A_108 = tpu.memref_squeeze %dma_start3A_107 : memref<1x128xi32, #tpu.memory_space<vmem>> -> memref<128xi32, #tpu.memory_space<vmem>>
      %dma_start3A_109 = arith.constant 0 : i32
      %dma_start3A_110 = arith.constant 0 : i32
      %dma_start3A_111 = tpu.memref_slice %arg12[%dma_start3A_109, %dma_start3A_110] : memref<10240x64xf32, #tpu.memory_space<vmem_shared>> -> memref<10240x64xf32, #tpu.memory_space<vmem_shared>>
      tpu.enqueue_indirect_dma source(%arg11 : memref<128x64xf32, #tpu.memory_space<vmem>>) target(%dma_start3A_111 : memref<10240x64xf32, #tpu.memory_space<vmem_shared>>) offsets(%dma_start3A_108 : memref<128xi32, #tpu.memory_space<vmem>>) semaphore(%arg21 : memref<!tpu.dma_semaphore, #tpu.memory_space<semaphore_mem>>) {add = true}
      %add3A_112 = arith.constant 0 : i32
      %add3A_113 = arith.addi %mul3A_48, %add3A_112 : i32
      %dma_wait3A_114 = arith.constant 0 : i32
      %dma_wait3A_115 = tpu.memref_slice %arg7[%add3A_113, %dma_wait3A_114] : memref<40x128xi32, #tpu.memory_space<vmem>> -> memref<1x128xi32, #tpu.memory_space<vmem>>
      %dma_wait3A_116 = tpu.memref_squeeze %dma_wait3A_115 : memref<1x128xi32, #tpu.memory_space<vmem>> -> memref<128xi32, #tpu.memory_space<vmem>>
      %dma_wait3A_117 = arith.constant 0 : i32
      %dma_wait3A_118 = arith.constant 0 : i32
      %dma_wait3A_119 = tpu.memref_slice %arg12[%dma_wait3A_117, %dma_wait3A_118] : memref<10240x64xf32, #tpu.memory_space<vmem_shared>> -> memref<10240x64xf32, #tpu.memory_space<vmem_shared>>
      tpu.wait_indirect_dma semaphore(%arg18 : memref<!tpu.dma_semaphore, #tpu.memory_space<semaphore_mem>>) src(%arg8 : memref<128x64xf32, #tpu.memory_space<vmem>>) dst(%dma_wait3A_119 : memref<10240x64xf32, #tpu.memory_space<vmem_shared>>)
      %add3A_120 = arith.constant 4 : i32
      %add3A_121 = arith.addi %mul3A_48, %add3A_120 : i32
      %add3A_122 = arith.constant 0 : i32
      %add3A_123 = arith.addi %add3A_121, %add3A_122 : i32
      %lt3A = arith.constant 40 : i32
      %lt3A_124 = arith.cmpi slt, %add3A_123, %lt3A : i32
      %convert_element_type3A = arith.extui %lt3A_124 : i1 to i32
      %cond3A = arith.constant 0 : i32
      %cond3A_125 = arith.cmpi ne, %convert_element_type3A, %cond3A : i32
      scf.if %cond3A_125 {
        %dma_start3A_177 = arith.constant 0 : i32
        %dma_start3A_178 = tpu.memref_slice %arg6[%add3A_123, %dma_start3A_177] : memref<40x128xi32, #tpu.memory_space<vmem>> -> memref<1x128xi32, #tpu.memory_space<vmem>>
        %dma_start3A_179 = tpu.memref_squeeze %dma_start3A_178 : memref<1x128xi32, #tpu.memory_space<vmem>> -> memref<128xi32, #tpu.memory_space<vmem>>
        %dma_start3A_180 = arith.constant 0 : i32
        %dma_start3A_181 = arith.constant 0 : i32
        %dma_start3A_182 = tpu.memref_slice %arg13[%dma_start3A_180, %dma_start3A_181] : memref<10240x64xf32, #tpu.memory_space<vmem_shared>> -> memref<10240x64xf32, #tpu.memory_space<vmem_shared>>
        tpu.enqueue_indirect_dma source(%dma_start3A_182 : memref<10240x64xf32, #tpu.memory_space<vmem_shared>>) target(%arg8 : memref<128x64xf32, #tpu.memory_space<vmem>>) offsets(%dma_start3A_179 : memref<128xi32, #tpu.memory_space<vmem>>) semaphore(%arg14 : memref<!tpu.dma_semaphore, #tpu.memory_space<semaphore_mem>>)
      } else {
      }
      %add3A_126 = arith.constant 1 : i32
      %add3A_127 = arith.addi %mul3A_48, %add3A_126 : i32
      %dma_wait3A_128 = arith.constant 0 : i32
      %dma_wait3A_129 = tpu.memref_slice %arg7[%add3A_127, %dma_wait3A_128] : memref<40x128xi32, #tpu.memory_space<vmem>> -> memref<1x128xi32, #tpu.memory_space<vmem>>
      %dma_wait3A_130 = tpu.memref_squeeze %dma_wait3A_129 : memref<1x128xi32, #tpu.memory_space<vmem>> -> memref<128xi32, #tpu.memory_space<vmem>>
      %dma_wait3A_131 = arith.constant 0 : i32
      %dma_wait3A_132 = arith.constant 0 : i32
      %dma_wait3A_133 = tpu.memref_slice %arg12[%dma_wait3A_131, %dma_wait3A_132] : memref<10240x64xf32, #tpu.memory_space<vmem_shared>> -> memref<10240x64xf32, #tpu.memory_space<vmem_shared>>
      tpu.wait_indirect_dma semaphore(%arg19 : memref<!tpu.dma_semaphore, #tpu.memory_space<semaphore_mem>>) src(%arg9 : memref<128x64xf32, #tpu.memory_space<vmem>>) dst(%dma_wait3A_133 : memref<10240x64xf32, #tpu.memory_space<vmem_shared>>)
      %add3A_134 = arith.constant 4 : i32
      %add3A_135 = arith.addi %mul3A_48, %add3A_134 : i32
      %add3A_136 = arith.constant 1 : i32
      %add3A_137 = arith.addi %add3A_135, %add3A_136 : i32
      %lt3A_138 = arith.constant 40 : i32
      %lt3A_139 = arith.cmpi slt, %add3A_137, %lt3A_138 : i32
      %convert_element_type3A_140 = arith.extui %lt3A_139 : i1 to i32
      %cond3A_141 = arith.constant 0 : i32
      %cond3A_142 = arith.cmpi ne, %convert_element_type3A_140, %cond3A_141 : i32
      scf.if %cond3A_142 {
        %dma_start3A_177 = arith.constant 0 : i32
        %dma_start3A_178 = tpu.memref_slice %arg6[%add3A_137, %dma_start3A_177] : memref<40x128xi32, #tpu.memory_space<vmem>> -> memref<1x128xi32, #tpu.memory_space<vmem>>
        %dma_start3A_179 = tpu.memref_squeeze %dma_start3A_178 : memref<1x128xi32, #tpu.memory_space<vmem>> -> memref<128xi32, #tpu.memory_space<vmem>>
        %dma_start3A_180 = arith.constant 0 : i32
        %dma_start3A_181 = arith.constant 0 : i32
        %dma_start3A_182 = tpu.memref_slice %arg13[%dma_start3A_180, %dma_start3A_181] : memref<10240x64xf32, #tpu.memory_space<vmem_shared>> -> memref<10240x64xf32, #tpu.memory_space<vmem_shared>>
        tpu.enqueue_indirect_dma source(%dma_start3A_182 : memref<10240x64xf32, #tpu.memory_space<vmem_shared>>) target(%arg9 : memref<128x64xf32, #tpu.memory_space<vmem>>) offsets(%dma_start3A_179 : memref<128xi32, #tpu.memory_space<vmem>>) semaphore(%arg15 : memref<!tpu.dma_semaphore, #tpu.memory_space<semaphore_mem>>)
      } else {
      }
      %add3A_143 = arith.constant 2 : i32
      %add3A_144 = arith.addi %mul3A_48, %add3A_143 : i32
      %dma_wait3A_145 = arith.constant 0 : i32
      %dma_wait3A_146 = tpu.memref_slice %arg7[%add3A_144, %dma_wait3A_145] : memref<40x128xi32, #tpu.memory_space<vmem>> -> memref<1x128xi32, #tpu.memory_space<vmem>>
      %dma_wait3A_147 = tpu.memref_squeeze %dma_wait3A_146 : memref<1x128xi32, #tpu.memory_space<vmem>> -> memref<128xi32, #tpu.memory_space<vmem>>
      %dma_wait3A_148 = arith.constant 0 : i32
      %dma_wait3A_149 = arith.constant 0 : i32
      %dma_wait3A_150 = tpu.memref_slice %arg12[%dma_wait3A_148, %dma_wait3A_149] : memref<10240x64xf32, #tpu.memory_space<vmem_shared>> -> memref<10240x64xf32, #tpu.memory_space<vmem_shared>>
      tpu.wait_indirect_dma semaphore(%arg20 : memref<!tpu.dma_semaphore, #tpu.memory_space<semaphore_mem>>) src(%arg10 : memref<128x64xf32, #tpu.memory_space<vmem>>) dst(%dma_wait3A_150 : memref<10240x64xf32, #tpu.memory_space<vmem_shared>>)
      %add3A_151 = arith.constant 4 : i32
      %add3A_152 = arith.addi %mul3A_48, %add3A_151 : i32
      %add3A_153 = arith.constant 2 : i32
      %add3A_154 = arith.addi %add3A_152, %add3A_153 : i32
      %lt3A_155 = arith.constant 40 : i32
      %lt3A_156 = arith.cmpi slt, %add3A_154, %lt3A_155 : i32
      %convert_element_type3A_157 = arith.extui %lt3A_156 : i1 to i32
      %cond3A_158 = arith.constant 0 : i32
      %cond3A_159 = arith.cmpi ne, %convert_element_type3A_157, %cond3A_158 : i32
      scf.if %cond3A_159 {
        %dma_start3A_177 = arith.constant 0 : i32
        %dma_start3A_178 = tpu.memref_slice %arg6[%add3A_154, %dma_start3A_177] : memref<40x128xi32, #tpu.memory_space<vmem>> -> memref<1x128xi32, #tpu.memory_space<vmem>>
        %dma_start3A_179 = tpu.memref_squeeze %dma_start3A_178 : memref<1x128xi32, #tpu.memory_space<vmem>> -> memref<128xi32, #tpu.memory_space<vmem>>
        %dma_start3A_180 = arith.constant 0 : i32
        %dma_start3A_181 = arith.constant 0 : i32
        %dma_start3A_182 = tpu.memref_slice %arg13[%dma_start3A_180, %dma_start3A_181] : memref<10240x64xf32, #tpu.memory_space<vmem_shared>> -> memref<10240x64xf32, #tpu.memory_space<vmem_shared>>
        tpu.enqueue_indirect_dma source(%dma_start3A_182 : memref<10240x64xf32, #tpu.memory_space<vmem_shared>>) target(%arg10 : memref<128x64xf32, #tpu.memory_space<vmem>>) offsets(%dma_start3A_179 : memref<128xi32, #tpu.memory_space<vmem>>) semaphore(%arg16 : memref<!tpu.dma_semaphore, #tpu.memory_space<semaphore_mem>>)
      } else {
      }
      %add3A_160 = arith.constant 3 : i32
      %add3A_161 = arith.addi %mul3A_48, %add3A_160 : i32
      %dma_wait3A_162 = arith.constant 0 : i32
      %dma_wait3A_163 = tpu.memref_slice %arg7[%add3A_161, %dma_wait3A_162] : memref<40x128xi32, #tpu.memory_space<vmem>> -> memref<1x128xi32, #tpu.memory_space<vmem>>
      %dma_wait3A_164 = tpu.memref_squeeze %dma_wait3A_163 : memref<1x128xi32, #tpu.memory_space<vmem>> -> memref<128xi32, #tpu.memory_space<vmem>>
      %dma_wait3A_165 = arith.constant 0 : i32
      %dma_wait3A_166 = arith.constant 0 : i32
      %dma_wait3A_167 = tpu.memref_slice %arg12[%dma_wait3A_165, %dma_wait3A_166] : memref<10240x64xf32, #tpu.memory_space<vmem_shared>> -> memref<10240x64xf32, #tpu.memory_space<vmem_shared>>
      tpu.wait_indirect_dma semaphore(%arg21 : memref<!tpu.dma_semaphore, #tpu.memory_space<semaphore_mem>>) src(%arg11 : memref<128x64xf32, #tpu.memory_space<vmem>>) dst(%dma_wait3A_167 : memref<10240x64xf32, #tpu.memory_space<vmem_shared>>)
      %add3A_168 = arith.constant 4 : i32
      %add3A_169 = arith.addi %mul3A_48, %add3A_168 : i32
      %add3A_170 = arith.constant 3 : i32
      %add3A_171 = arith.addi %add3A_169, %add3A_170 : i32
      %lt3A_172 = arith.constant 40 : i32
      %lt3A_173 = arith.cmpi slt, %add3A_171, %lt3A_172 : i32
      %convert_element_type3A_174 = arith.extui %lt3A_173 : i1 to i32
      %cond3A_175 = arith.constant 0 : i32
      %cond3A_176 = arith.cmpi ne, %convert_element_type3A_174, %cond3A_175 : i32
      scf.if %cond3A_176 {
        %dma_start3A_177 = arith.constant 0 : i32
        %dma_start3A_178 = tpu.memref_slice %arg6[%add3A_171, %dma_start3A_177] : memref<40x128xi32, #tpu.memory_space<vmem>> -> memref<1x128xi32, #tpu.memory_space<vmem>>
        %dma_start3A_179 = tpu.memref_squeeze %dma_start3A_178 : memref<1x128xi32, #tpu.memory_space<vmem>> -> memref<128xi32, #tpu.memory_space<vmem>>
        %dma_start3A_180 = arith.constant 0 : i32
        %dma_start3A_181 = arith.constant 0 : i32
        %dma_start3A_182 = tpu.memref_slice %arg13[%dma_start3A_180, %dma_start3A_181] : memref<10240x64xf32, #tpu.memory_space<vmem_shared>> -> memref<10240x64xf32, #tpu.memory_space<vmem_shared>>
        tpu.enqueue_indirect_dma source(%dma_start3A_182 : memref<10240x64xf32, #tpu.memory_space<vmem_shared>>) target(%arg11 : memref<128x64xf32, #tpu.memory_space<vmem>>) offsets(%dma_start3A_179 : memref<128xi32, #tpu.memory_space<vmem>>) semaphore(%arg17 : memref<!tpu.dma_semaphore, #tpu.memory_space<semaphore_mem>>)
      } else {
      }
    }
    %scan3A_40 = arith.constant 10 : i32
    %barrier3A_41 = arith.constant 0 : index
    tpu.barrier barrier_id(%barrier3A_41)
    %mul3A_42 = arith.constant 640 : i32
    %mul3A_43 = arith.muli %arg1, %mul3A_42 : i32
    %mul3A_44 = arith.constant 640 : i32
    %mul3A_45 = arith.muli %arg1, %mul3A_44 : i32
    "tpu.region"() ({
      %run_scoped3A = tpu.sem_alloc : memref<!tpu.dma_semaphore, #tpu.memory_space<semaphore_mem>>
      %dma_start3A_46 = arith.constant 0 : i32
      %dma_start3A_47 = tpu.memref_slice %arg5[%arg0, %mul3A_45, %dma_start3A_46] : memref<2x10240x64xf32, #tpu.memory_space<hbm>> -> memref<1x640x64xf32, #tpu.memory_space<hbm>>
      %dma_start3A_48 = tpu.memref_squeeze %dma_start3A_47 : memref<1x640x64xf32, #tpu.memory_space<hbm>> -> memref<640x64xf32, #tpu.memory_space<hbm>>
      %dma_start3A_49 = arith.constant 0 : i32
      %dma_start3A_50 = tpu.memref_slice %arg12[%mul3A_43, %dma_start3A_49] : memref<10240x64xf32, #tpu.memory_space<vmem_shared>> -> memref<640x64xf32, #tpu.memory_space<vmem_shared>>
      tpu.enqueue_dma source(%dma_start3A_50 : memref<640x64xf32, #tpu.memory_space<vmem_shared>>) target(%dma_start3A_48 : memref<640x64xf32, #tpu.memory_space<hbm>>) target_semaphore(%run_scoped3A : memref<!tpu.dma_semaphore, #tpu.memory_space<semaphore_mem>>)
      %dma_wait3A = arith.constant 0 : i32
      %dma_wait3A_51 = tpu.memref_slice %arg5[%arg0, %mul3A_45, %dma_wait3A] : memref<2x10240x64xf32, #tpu.memory_space<hbm>> -> memref<1x640x64xf32, #tpu.memory_space<hbm>>
      %dma_wait3A_52 = tpu.memref_squeeze %dma_wait3A_51 : memref<1x640x64xf32, #tpu.memory_space<hbm>> -> memref<640x64xf32, #tpu.memory_space<hbm>>
      %dma_wait3A_53 = arith.constant 0 : i32
      %dma_wait3A_54 = tpu.memref_slice %arg12[%mul3A_43, %dma_wait3A_53] : memref<10240x64xf32, #tpu.memory_space<vmem_shared>> -> memref<640x64xf32, #tpu.memory_space<vmem_shared>>
      tpu.wait_dma2 semaphore(%run_scoped3A : memref<!tpu.dma_semaphore, #tpu.memory_space<semaphore_mem>>) src(%dma_wait3A_54 : memref<640x64xf32, #tpu.memory_space<vmem_shared>>) dst(%dma_wait3A_52 : memref<640x64xf32, #tpu.memory_space<hbm>>)
      tpu.yield
    }) : () -> ()
    return
  }
}

#map = affine_map<(d0, d1) -> (0, 0)>
#map1 = affine_map<(d0, d1) -> (0, 0, 0)>
module attributes {stable_mosaic.version = 14 : i64} {
  func.func @_scatter_kernel(%arg0: i32, %arg1: i32, %arg2: memref<10240x64xf32, #tpu.memory_space<hbm>>, %arg3: memref<32x40x128xi32, #tpu.memory_space<hbm>>, %arg4: memref<32x40x128xi32, #tpu.memory_space<hbm>>, %arg5: memref<2x10240x64xf32, #tpu.memory_space<hbm>>, %arg6: memref<40x128xi32, #tpu.memory_space<vmem>>, %arg7: memref<40x128xi32, #tpu.memory_space<vmem>>, %arg8: memref<128x64xf32, #tpu.memory_space<vmem>>, %arg9: memref<128x64xf32, #tpu.memory_space<vmem>>, %arg10: memref<128x64xf32, #tpu.memory_space<vmem>>, %arg11: memref<128x64xf32, #tpu.memory_space<vmem>>, %arg12: memref<10240x64xf32, #tpu.memory_space<vmem_shared>>, %arg13: memref<10240x64xf32, #tpu.memory_space<vmem_shared>>, %arg14: memref<!tpu.dma_semaphore, #tpu.memory_space<semaphore_mem>>, %arg15: memref<!tpu.dma_semaphore, #tpu.memory_space<semaphore_mem>>, %arg16: memref<!tpu.dma_semaphore, #tpu.memory_space<semaphore_mem>>, %arg17: memref<!tpu.dma_semaphore, #tpu.memory_space<semaphore_mem>>, %arg18: memref<!tpu.dma_semaphore, #tpu.memory_space<semaphore_mem>>, %arg19: memref<!tpu.dma_semaphore, #tpu.memory_space<semaphore_mem>>, %arg20: memref<!tpu.dma_semaphore, #tpu.memory_space<semaphore_mem>>, %arg21: memref<!tpu.dma_semaphore, #tpu.memory_space<semaphore_mem>>) attributes {dimension_semantics = [#tpu.dimension_semantics<core_parallel>, #tpu.dimension_semantics<subcore_parallel>], iteration_bounds = array<i64: 2, 16>, scalar_prefetch = 0 : i64, scratch_operands = 16 : i64, tpu.core_type = #tpu.core_type<sc_vector_subcore>, window_params = [{transform_indices = #map}, {transform_indices = #map1}, {transform_indices = #map1}, {transform_indices = #map1}]} {
    %mul3A = arith.constant 2 : i32
    %mul3A_0 = arith.muli %arg1, %mul3A : i32
    %add3A = arith.addi %mul3A_0, %arg0 : i32
    "tpu.region"() ({
      %run_scoped3A = tpu.sem_alloc : memref<!tpu.dma_semaphore, #tpu.memory_space<semaphore_mem>>
      %dma_start3A_46 = arith.constant 0 : i32
      %dma_start3A_47 = arith.constant 0 : i32
      %dma_start3A_48 = tpu.memref_slice %arg3[%add3A, %dma_start3A_46, %dma_start3A_47] : memref<32x40x128xi32, #tpu.memory_space<hbm>> -> memref<1x40x128xi32, #tpu.memory_space<hbm>>
      %dma_start3A_49 = tpu.memref_squeeze %dma_start3A_48 : memref<1x40x128xi32, #tpu.memory_space<hbm>> -> memref<40x128xi32, #tpu.memory_space<hbm>>
      %dma_start3A_50 = arith.constant 0 : i32
      %dma_start3A_51 = arith.constant 0 : i32
      %dma_start3A_52 = tpu.memref_slice %arg3[%add3A, %dma_start3A_50, %dma_start3A_51] : memref<32x40x128xi32, #tpu.memory_space<hbm>> -> memref<1x40x128xi32, #tpu.memory_space<hbm>>
      %dma_start3A_53 = tpu.memref_squeeze %dma_start3A_52 : memref<1x40x128xi32, #tpu.memory_space<hbm>> -> memref<40x128xi32, #tpu.memory_space<hbm>>
      tpu.enqueue_dma source(%dma_start3A_53 : memref<40x128xi32, #tpu.memory_space<hbm>>) target(%arg6 : memref<40x128xi32, #tpu.memory_space<vmem>>) target_semaphore(%run_scoped3A : memref<!tpu.dma_semaphore, #tpu.memory_space<semaphore_mem>>)
      %dma_wait3A = arith.constant 0 : i32
      %dma_wait3A_54 = arith.constant 0 : i32
      %dma_wait3A_55 = tpu.memref_slice %arg3[%add3A, %dma_wait3A, %dma_wait3A_54] : memref<32x40x128xi32, #tpu.memory_space<hbm>> -> memref<1x40x128xi32, #tpu.memory_space<hbm>>
      %dma_wait3A_56 = tpu.memref_squeeze %dma_wait3A_55 : memref<1x40x128xi32, #tpu.memory_space<hbm>> -> memref<40x128xi32, #tpu.memory_space<hbm>>
      %dma_wait3A_57 = arith.constant 0 : i32
      %dma_wait3A_58 = arith.constant 0 : i32
      %dma_wait3A_59 = tpu.memref_slice %arg3[%add3A, %dma_wait3A_57, %dma_wait3A_58] : memref<32x40x128xi32, #tpu.memory_space<hbm>> -> memref<1x40x128xi32, #tpu.memory_space<hbm>>
      %dma_wait3A_60 = tpu.memref_squeeze %dma_wait3A_59 : memref<1x40x128xi32, #tpu.memory_space<hbm>> -> memref<40x128xi32, #tpu.memory_space<hbm>>
      tpu.wait_dma2 semaphore(%run_scoped3A : memref<!tpu.dma_semaphore, #tpu.memory_space<semaphore_mem>>) src(%dma_wait3A_60 : memref<40x128xi32, #tpu.memory_space<hbm>>) dst(%arg6 : memref<40x128xi32, #tpu.memory_space<vmem>>)
      tpu.yield
    }) : () -> ()
    "tpu.region"() ({
      %run_scoped3A = tpu.sem_alloc : memref<!tpu.dma_semaphore, #tpu.memory_space<semaphore_mem>>
      %dma_start3A_46 = arith.constant 0 : i32
      %dma_start3A_47 = arith.constant 0 : i32
      %dma_start3A_48 = tpu.memref_slice %arg4[%add3A, %dma_start3A_46, %dma_start3A_47] : memref<32x40x128xi32, #tpu.memory_space<hbm>> -> memref<1x40x128xi32, #tpu.memory_space<hbm>>
      %dma_start3A_49 = tpu.memref_squeeze %dma_start3A_48 : memref<1x40x128xi32, #tpu.memory_space<hbm>> -> memref<40x128xi32, #tpu.memory_space<hbm>>
      %dma_start3A_50 = arith.constant 0 : i32
      %dma_start3A_51 = arith.constant 0 : i32
      %dma_start3A_52 = tpu.memref_slice %arg4[%add3A, %dma_start3A_50, %dma_start3A_51] : memref<32x40x128xi32, #tpu.memory_space<hbm>> -> memref<1x40x128xi32, #tpu.memory_space<hbm>>
      %dma_start3A_53 = tpu.memref_squeeze %dma_start3A_52 : memref<1x40x128xi32, #tpu.memory_space<hbm>> -> memref<40x128xi32, #tpu.memory_space<hbm>>
      tpu.enqueue_dma source(%dma_start3A_53 : memref<40x128xi32, #tpu.memory_space<hbm>>) target(%arg7 : memref<40x128xi32, #tpu.memory_space<vmem>>) target_semaphore(%run_scoped3A : memref<!tpu.dma_semaphore, #tpu.memory_space<semaphore_mem>>)
      %dma_wait3A = arith.constant 0 : i32
      %dma_wait3A_54 = arith.constant 0 : i32
      %dma_wait3A_55 = tpu.memref_slice %arg4[%add3A, %dma_wait3A, %dma_wait3A_54] : memref<32x40x128xi32, #tpu.memory_space<hbm>> -> memref<1x40x128xi32, #tpu.memory_space<hbm>>
      %dma_wait3A_56 = tpu.memref_squeeze %dma_wait3A_55 : memref<1x40x128xi32, #tpu.memory_space<hbm>> -> memref<40x128xi32, #tpu.memory_space<hbm>>
      %dma_wait3A_57 = arith.constant 0 : i32
      %dma_wait3A_58 = arith.constant 0 : i32
      %dma_wait3A_59 = tpu.memref_slice %arg4[%add3A, %dma_wait3A_57, %dma_wait3A_58] : memref<32x40x128xi32, #tpu.memory_space<hbm>> -> memref<1x40x128xi32, #tpu.memory_space<hbm>>
      %dma_wait3A_60 = tpu.memref_squeeze %dma_wait3A_59 : memref<1x40x128xi32, #tpu.memory_space<hbm>> -> memref<40x128xi32, #tpu.memory_space<hbm>>
      tpu.wait_dma2 semaphore(%run_scoped3A : memref<!tpu.dma_semaphore, #tpu.memory_space<semaphore_mem>>) src(%dma_wait3A_60 : memref<40x128xi32, #tpu.memory_space<hbm>>) dst(%arg7 : memref<40x128xi32, #tpu.memory_space<vmem>>)
      tpu.yield
    }) : () -> ()
    %mul3A_1 = arith.constant 640 : i32
    %mul3A_2 = arith.muli %arg1, %mul3A_1 : i32
    %mul3A_3 = arith.constant 640 : i32
    %mul3A_4 = arith.muli %arg1, %mul3A_3 : i32
    "tpu.region"() ({
      %run_scoped3A = tpu.sem_alloc : memref<!tpu.dma_semaphore, #tpu.memory_space<semaphore_mem>>
      %dma_start3A_46 = arith.constant 0 : i32
      %dma_start3A_47 = tpu.memref_slice %arg12[%mul3A_4, %dma_start3A_46] : memref<10240x64xf32, #tpu.memory_space<vmem_shared>> -> memref<640x64xf32, #tpu.memory_space<vmem_shared>>
      %dma_start3A_48 = arith.constant 0 : i32
      %dma_start3A_49 = tpu.memref_slice %arg2[%mul3A_2, %dma_start3A_48] : memref<10240x64xf32, #tpu.memory_space<hbm>> -> memref<640x64xf32, #tpu.memory_space<hbm>>
      tpu.enqueue_dma source(%dma_start3A_49 : memref<640x64xf32, #tpu.memory_space<hbm>>) target(%dma_start3A_47 : memref<640x64xf32, #tpu.memory_space<vmem_shared>>) target_semaphore(%run_scoped3A : memref<!tpu.dma_semaphore, #tpu.memory_space<semaphore_mem>>)
      %dma_wait3A = arith.constant 0 : i32
      %dma_wait3A_50 = tpu.memref_slice %arg12[%mul3A_4, %dma_wait3A] : memref<10240x64xf32, #tpu.memory_space<vmem_shared>> -> memref<640x64xf32, #tpu.memory_space<vmem_shared>>
      %dma_wait3A_51 = arith.constant 0 : i32
      %dma_wait3A_52 = tpu.memref_slice %arg2[%mul3A_2, %dma_wait3A_51] : memref<10240x64xf32, #tpu.memory_space<hbm>> -> memref<640x64xf32, #tpu.memory_space<hbm>>
      tpu.wait_dma2 semaphore(%run_scoped3A : memref<!tpu.dma_semaphore, #tpu.memory_space<semaphore_mem>>) src(%dma_wait3A_52 : memref<640x64xf32, #tpu.memory_space<hbm>>) dst(%dma_wait3A_50 : memref<640x64xf32, #tpu.memory_space<vmem_shared>>)
      tpu.yield
    }) : () -> ()
    %mul3A_5 = arith.constant 640 : i32
    %mul3A_6 = arith.muli %arg1, %mul3A_5 : i32
    %mul3A_7 = arith.constant 640 : i32
    %mul3A_8 = arith.muli %arg1, %mul3A_7 : i32
    "tpu.region"() ({
      %run_scoped3A = tpu.sem_alloc : memref<!tpu.dma_semaphore, #tpu.memory_space<semaphore_mem>>
      %dma_start3A_46 = arith.constant 0 : i32
      %dma_start3A_47 = tpu.memref_slice %arg13[%mul3A_8, %dma_start3A_46] : memref<10240x64xf32, #tpu.memory_space<vmem_shared>> -> memref<640x64xf32, #tpu.memory_space<vmem_shared>>
      %dma_start3A_48 = arith.constant 0 : i32
      %dma_start3A_49 = tpu.memref_slice %arg2[%mul3A_6, %dma_start3A_48] : memref<10240x64xf32, #tpu.memory_space<hbm>> -> memref<640x64xf32, #tpu.memory_space<hbm>>
      tpu.enqueue_dma source(%dma_start3A_49 : memref<640x64xf32, #tpu.memory_space<hbm>>) target(%dma_start3A_47 : memref<640x64xf32, #tpu.memory_space<vmem_shared>>) target_semaphore(%run_scoped3A : memref<!tpu.dma_semaphore, #tpu.memory_space<semaphore_mem>>)
      %dma_wait3A = arith.constant 0 : i32
      %dma_wait3A_50 = tpu.memref_slice %arg13[%mul3A_8, %dma_wait3A] : memref<10240x64xf32, #tpu.memory_space<vmem_shared>> -> memref<640x64xf32, #tpu.memory_space<vmem_shared>>
      %dma_wait3A_51 = arith.constant 0 : i32
      %dma_wait3A_52 = tpu.memref_slice %arg2[%mul3A_6, %dma_wait3A_51] : memref<10240x64xf32, #tpu.memory_space<hbm>> -> memref<640x64xf32, #tpu.memory_space<hbm>>
      tpu.wait_dma2 semaphore(%run_scoped3A : memref<!tpu.dma_semaphore, #tpu.memory_space<semaphore_mem>>) src(%dma_wait3A_52 : memref<640x64xf32, #tpu.memory_space<hbm>>) dst(%dma_wait3A_50 : memref<640x64xf32, #tpu.memory_space<vmem_shared>>)
      tpu.yield
    }) : () -> ()
    %barrier3A = arith.constant 0 : index
    tpu.barrier barrier_id(%barrier3A)
    %dma_start3A = arith.constant 0 : i32
    %dma_start3A_9 = arith.constant 0 : i32
    %dma_start3A_10 = tpu.memref_slice %arg6[%dma_start3A, %dma_start3A_9] : memref<40x128xi32, #tpu.memory_space<vmem>> -> memref<1x128xi32, #tpu.memory_space<vmem>>
    %dma_start3A_11 = tpu.memref_squeeze %dma_start3A_10 : memref<1x128xi32, #tpu.memory_space<vmem>> -> memref<128xi32, #tpu.memory_space<vmem>>
    %dma_start3A_12 = arith.constant 0 : i32
    %dma_start3A_13 = arith.constant 0 : i32
    %dma_start3A_14 = tpu.memref_slice %arg13[%dma_start3A_12, %dma_start3A_13] : memref<10240x64xf32, #tpu.memory_space<vmem_shared>> -> memref<10240x64xf32, #tpu.memory_space<vmem_shared>>
    tpu.enqueue_indirect_dma source(%dma_start3A_14 : memref<10240x64xf32, #tpu.memory_space<vmem_shared>>) target(%arg8 : memref<128x64xf32, #tpu.memory_space<vmem>>) offsets(%dma_start3A_11 : memref<128xi32, #tpu.memory_space<vmem>>) semaphore(%arg14 : memref<!tpu.dma_semaphore, #tpu.memory_space<semaphore_mem>>)
    %dma_start3A_15 = arith.constant 1 : i32
    %dma_start3A_16 = arith.constant 0 : i32
    %dma_start3A_17 = tpu.memref_slice %arg6[%dma_start3A_15, %dma_start3A_16] : memref<40x128xi32, #tpu.memory_space<vmem>> -> memref<1x128xi32, #tpu.memory_space<vmem>>
    %dma_start3A_18 = tpu.memref_squeeze %dma_start3A_17 : memref<1x128xi32, #tpu.memory_space<vmem>> -> memref<128xi32, #tpu.memory_space<vmem>>
    %dma_start3A_19 = arith.constant 0 : i32
    %dma_start3A_20 = arith.constant 0 : i32
    %dma_start3A_21 = tpu.memref_slice %arg13[%dma_start3A_19, %dma_start3A_20] : memref<10240x64xf32, #tpu.memory_space<vmem_shared>> -> memref<10240x64xf32, #tpu.memory_space<vmem_shared>>
    tpu.enqueue_indirect_dma source(%dma_start3A_21 : memref<10240x64xf32, #tpu.memory_space<vmem_shared>>) target(%arg9 : memref<128x64xf32, #tpu.memory_space<vmem>>) offsets(%dma_start3A_18 : memref<128xi32, #tpu.memory_space<vmem>>) semaphore(%arg15 : memref<!tpu.dma_semaphore, #tpu.memory_space<semaphore_mem>>)
    %dma_start3A_22 = arith.constant 2 : i32
    %dma_start3A_23 = arith.constant 0 : i32
    %dma_start3A_24 = tpu.memref_slice %arg6[%dma_start3A_22, %dma_start3A_23] : memref<40x128xi32, #tpu.memory_space<vmem>> -> memref<1x128xi32, #tpu.memory_space<vmem>>
    %dma_start3A_25 = tpu.memref_squeeze %dma_start3A_24 : memref<1x128xi32, #tpu.memory_space<vmem>> -> memref<128xi32, #tpu.memory_space<vmem>>
    %dma_start3A_26 = arith.constant 0 : i32
    %dma_start3A_27 = arith.constant 0 : i32
    %dma_start3A_28 = tpu.memref_slice %arg13[%dma_start3A_26, %dma_start3A_27] : memref<10240x64xf32, #tpu.memory_space<vmem_shared>> -> memref<10240x64xf32, #tpu.memory_space<vmem_shared>>
    tpu.enqueue_indirect_dma source(%dma_start3A_28 : memref<10240x64xf32, #tpu.memory_space<vmem_shared>>) target(%arg10 : memref<128x64xf32, #tpu.memory_space<vmem>>) offsets(%dma_start3A_25 : memref<128xi32, #tpu.memory_space<vmem>>) semaphore(%arg16 : memref<!tpu.dma_semaphore, #tpu.memory_space<semaphore_mem>>)
    %dma_start3A_29 = arith.constant 3 : i32
    %dma_start3A_30 = arith.constant 0 : i32
    %dma_start3A_31 = tpu.memref_slice %arg6[%dma_start3A_29, %dma_start3A_30] : memref<40x128xi32, #tpu.memory_space<vmem>> -> memref<1x128xi32, #tpu.memory_space<vmem>>
    %dma_start3A_32 = tpu.memref_squeeze %dma_start3A_31 : memref<1x128xi32, #tpu.memory_space<vmem>> -> memref<128xi32, #tpu.memory_space<vmem>>
    %dma_start3A_33 = arith.constant 0 : i32
    %dma_start3A_34 = arith.constant 0 : i32
    %dma_start3A_35 = tpu.memref_slice %arg13[%dma_start3A_33, %dma_start3A_34] : memref<10240x64xf32, #tpu.memory_space<vmem_shared>> -> memref<10240x64xf32, #tpu.memory_space<vmem_shared>>
    tpu.enqueue_indirect_dma source(%dma_start3A_35 : memref<10240x64xf32, #tpu.memory_space<vmem_shared>>) target(%arg11 : memref<128x64xf32, #tpu.memory_space<vmem>>) offsets(%dma_start3A_32 : memref<128xi32, #tpu.memory_space<vmem>>) semaphore(%arg17 : memref<!tpu.dma_semaphore, #tpu.memory_space<semaphore_mem>>)
    %scan3A = arith.constant 0 : i32
    %scan3A_36 = arith.constant 0 : i32
    %scan3A_37 = arith.constant 10 : i32
    %scan3A_38 = arith.addi %scan3A_36, %scan3A_37 : i32
    %scan3A_39 = arith.constant 1 : i32
    scf.for %scan3A_46 = %scan3A_36 to %scan3A_38 step %scan3A_39  : i32 {
      %mul3A_47 = arith.constant 4 : i32
      %mul3A_48 = arith.muli %scan3A_46, %mul3A_47 : i32
      %add3A_49 = arith.constant 0 : i32
      %add3A_50 = arith.addi %mul3A_48, %add3A_49 : i32
      %dma_wait3A = arith.constant 0 : i32
      %dma_wait3A_51 = tpu.memref_slice %arg6[%add3A_50, %dma_wait3A] : memref<40x128xi32, #tpu.memory_space<vmem>> -> memref<1x128xi32, #tpu.memory_space<vmem>>
      %dma_wait3A_52 = tpu.memref_squeeze %dma_wait3A_51 : memref<1x128xi32, #tpu.memory_space<vmem>> -> memref<128xi32, #tpu.memory_space<vmem>>
      %dma_wait3A_53 = arith.constant 0 : i32
      %dma_wait3A_54 = arith.constant 0 : i32
      %dma_wait3A_55 = tpu.memref_slice %arg13[%dma_wait3A_53, %dma_wait3A_54] : memref<10240x64xf32, #tpu.memory_space<vmem_shared>> -> memref<10240x64xf32, #tpu.memory_space<vmem_shared>>
      tpu.wait_indirect_dma semaphore(%arg14 : memref<!tpu.dma_semaphore, #tpu.memory_space<semaphore_mem>>) src(%dma_wait3A_55 : memref<10240x64xf32, #tpu.memory_space<vmem_shared>>) dst(%arg8 : memref<128x64xf32, #tpu.memory_space<vmem>>)
      %add3A_56 = arith.constant 0 : i32
      %add3A_57 = arith.addi %mul3A_48, %add3A_56 : i32
      %dma_start3A_58 = arith.constant 0 : i32
      %dma_start3A_59 = tpu.memref_slice %arg7[%add3A_57, %dma_start3A_58] : memref<40x128xi32, #tpu.memory_space<vmem>> -> memref<1x128xi32, #tpu.memory_space<vmem>>
      %dma_start3A_60 = tpu.memref_squeeze %dma_start3A_59 : memref<1x128xi32, #tpu.memory_space<vmem>> -> memref<128xi32, #tpu.memory_space<vmem>>
      %dma_start3A_61 = arith.constant 0 : i32
      %dma_start3A_62 = arith.constant 0 : i32
      %dma_start3A_63 = tpu.memref_slice %arg12[%dma_start3A_61, %dma_start3A_62] : memref<10240x64xf32, #tpu.memory_space<vmem_shared>> -> memref<10240x64xf32, #tpu.memory_space<vmem_shared>>
      tpu.enqueue_indirect_dma source(%arg8 : memref<128x64xf32, #tpu.memory_space<vmem>>) target(%dma_start3A_63 : memref<10240x64xf32, #tpu.memory_space<vmem_shared>>) offsets(%dma_start3A_60 : memref<128xi32, #tpu.memory_space<vmem>>) semaphore(%arg18 : memref<!tpu.dma_semaphore, #tpu.memory_space<semaphore_mem>>) {add = true}
      %add3A_64 = arith.constant 1 : i32
      %add3A_65 = arith.addi %mul3A_48, %add3A_64 : i32
      %dma_wait3A_66 = arith.constant 0 : i32
      %dma_wait3A_67 = tpu.memref_slice %arg6[%add3A_65, %dma_wait3A_66] : memref<40x128xi32, #tpu.memory_space<vmem>> -> memref<1x128xi32, #tpu.memory_space<vmem>>
      %dma_wait3A_68 = tpu.memref_squeeze %dma_wait3A_67 : memref<1x128xi32, #tpu.memory_space<vmem>> -> memref<128xi32, #tpu.memory_space<vmem>>
      %dma_wait3A_69 = arith.constant 0 : i32
      %dma_wait3A_70 = arith.constant 0 : i32
      %dma_wait3A_71 = tpu.memref_slice %arg13[%dma_wait3A_69, %dma_wait3A_70] : memref<10240x64xf32, #tpu.memory_space<vmem_shared>> -> memref<10240x64xf32, #tpu.memory_space<vmem_shared>>
      tpu.wait_indirect_dma semaphore(%arg15 : memref<!tpu.dma_semaphore, #tpu.memory_space<semaphore_mem>>) src(%dma_wait3A_71 : memref<10240x64xf32, #tpu.memory_space<vmem_shared>>) dst(%arg9 : memref<128x64xf32, #tpu.memory_space<vmem>>)
      %add3A_72 = arith.constant 1 : i32
      %add3A_73 = arith.addi %mul3A_48, %add3A_72 : i32
      %dma_start3A_74 = arith.constant 0 : i32
      %dma_start3A_75 = tpu.memref_slice %arg7[%add3A_73, %dma_start3A_74] : memref<40x128xi32, #tpu.memory_space<vmem>> -> memref<1x128xi32, #tpu.memory_space<vmem>>
      %dma_start3A_76 = tpu.memref_squeeze %dma_start3A_75 : memref<1x128xi32, #tpu.memory_space<vmem>> -> memref<128xi32, #tpu.memory_space<vmem>>
      %dma_start3A_77 = arith.constant 0 : i32
      %dma_start3A_78 = arith.constant 0 : i32
      %dma_start3A_79 = tpu.memref_slice %arg12[%dma_start3A_77, %dma_start3A_78] : memref<10240x64xf32, #tpu.memory_space<vmem_shared>> -> memref<10240x64xf32, #tpu.memory_space<vmem_shared>>
      tpu.enqueue_indirect_dma source(%arg9 : memref<128x64xf32, #tpu.memory_space<vmem>>) target(%dma_start3A_79 : memref<10240x64xf32, #tpu.memory_space<vmem_shared>>) offsets(%dma_start3A_76 : memref<128xi32, #tpu.memory_space<vmem>>) semaphore(%arg19 : memref<!tpu.dma_semaphore, #tpu.memory_space<semaphore_mem>>) {add = true}
      %add3A_80 = arith.constant 2 : i32
      %add3A_81 = arith.addi %mul3A_48, %add3A_80 : i32
      %dma_wait3A_82 = arith.constant 0 : i32
      %dma_wait3A_83 = tpu.memref_slice %arg6[%add3A_81, %dma_wait3A_82] : memref<40x128xi32, #tpu.memory_space<vmem>> -> memref<1x128xi32, #tpu.memory_space<vmem>>
      %dma_wait3A_84 = tpu.memref_squeeze %dma_wait3A_83 : memref<1x128xi32, #tpu.memory_space<vmem>> -> memref<128xi32, #tpu.memory_space<vmem>>
      %dma_wait3A_85 = arith.constant 0 : i32
      %dma_wait3A_86 = arith.constant 0 : i32
      %dma_wait3A_87 = tpu.memref_slice %arg13[%dma_wait3A_85, %dma_wait3A_86] : memref<10240x64xf32, #tpu.memory_space<vmem_shared>> -> memref<10240x64xf32, #tpu.memory_space<vmem_shared>>
      tpu.wait_indirect_dma semaphore(%arg16 : memref<!tpu.dma_semaphore, #tpu.memory_space<semaphore_mem>>) src(%dma_wait3A_87 : memref<10240x64xf32, #tpu.memory_space<vmem_shared>>) dst(%arg10 : memref<128x64xf32, #tpu.memory_space<vmem>>)
      %add3A_88 = arith.constant 2 : i32
      %add3A_89 = arith.addi %mul3A_48, %add3A_88 : i32
      %dma_start3A_90 = arith.constant 0 : i32
      %dma_start3A_91 = tpu.memref_slice %arg7[%add3A_89, %dma_start3A_90] : memref<40x128xi32, #tpu.memory_space<vmem>> -> memref<1x128xi32, #tpu.memory_space<vmem>>
      %dma_start3A_92 = tpu.memref_squeeze %dma_start3A_91 : memref<1x128xi32, #tpu.memory_space<vmem>> -> memref<128xi32, #tpu.memory_space<vmem>>
      %dma_start3A_93 = arith.constant 0 : i32
      %dma_start3A_94 = arith.constant 0 : i32
      %dma_start3A_95 = tpu.memref_slice %arg12[%dma_start3A_93, %dma_start3A_94] : memref<10240x64xf32, #tpu.memory_space<vmem_shared>> -> memref<10240x64xf32, #tpu.memory_space<vmem_shared>>
      tpu.enqueue_indirect_dma source(%arg10 : memref<128x64xf32, #tpu.memory_space<vmem>>) target(%dma_start3A_95 : memref<10240x64xf32, #tpu.memory_space<vmem_shared>>) offsets(%dma_start3A_92 : memref<128xi32, #tpu.memory_space<vmem>>) semaphore(%arg20 : memref<!tpu.dma_semaphore, #tpu.memory_space<semaphore_mem>>) {add = true}
      %add3A_96 = arith.constant 3 : i32
      %add3A_97 = arith.addi %mul3A_48, %add3A_96 : i32
      %dma_wait3A_98 = arith.constant 0 : i32
      %dma_wait3A_99 = tpu.memref_slice %arg6[%add3A_97, %dma_wait3A_98] : memref<40x128xi32, #tpu.memory_space<vmem>> -> memref<1x128xi32, #tpu.memory_space<vmem>>
      %dma_wait3A_100 = tpu.memref_squeeze %dma_wait3A_99 : memref<1x128xi32, #tpu.memory_space<vmem>> -> memref<128xi32, #tpu.memory_space<vmem>>
      %dma_wait3A_101 = arith.constant 0 : i32
      %dma_wait3A_102 = arith.constant 0 : i32
      %dma_wait3A_103 = tpu.memref_slice %arg13[%dma_wait3A_101, %dma_wait3A_102] : memref<10240x64xf32, #tpu.memory_space<vmem_shared>> -> memref<10240x64xf32, #tpu.memory_space<vmem_shared>>
      tpu.wait_indirect_dma semaphore(%arg17 : memref<!tpu.dma_semaphore, #tpu.memory_space<semaphore_mem>>) src(%dma_wait3A_103 : memref<10240x64xf32, #tpu.memory_space<vmem_shared>>) dst(%arg11 : memref<128x64xf32, #tpu.memory_space<vmem>>)
      %add3A_104 = arith.constant 3 : i32
      %add3A_105 = arith.addi %mul3A_48, %add3A_104 : i32
      %dma_start3A_106 = arith.constant 0 : i32
      %dma_start3A_107 = tpu.memref_slice %arg7[%add3A_105, %dma_start3A_106] : memref<40x128xi32, #tpu.memory_space<vmem>> -> memref<1x128xi32, #tpu.memory_space<vmem>>
      %dma_start3A_108 = tpu.memref_squeeze %dma_start3A_107 : memref<1x128xi32, #tpu.memory_space<vmem>> -> memref<128xi32, #tpu.memory_space<vmem>>
      %dma_start3A_109 = arith.constant 0 : i32
      %dma_start3A_110 = arith.constant 0 : i32
      %dma_start3A_111 = tpu.memref_slice %arg12[%dma_start3A_109, %dma_start3A_110] : memref<10240x64xf32, #tpu.memory_space<vmem_shared>> -> memref<10240x64xf32, #tpu.memory_space<vmem_shared>>
      tpu.enqueue_indirect_dma source(%arg11 : memref<128x64xf32, #tpu.memory_space<vmem>>) target(%dma_start3A_111 : memref<10240x64xf32, #tpu.memory_space<vmem_shared>>) offsets(%dma_start3A_108 : memref<128xi32, #tpu.memory_space<vmem>>) semaphore(%arg21 : memref<!tpu.dma_semaphore, #tpu.memory_space<semaphore_mem>>) {add = true}
      %add3A_112 = arith.constant 0 : i32
      %add3A_113 = arith.addi %mul3A_48, %add3A_112 : i32
      %dma_wait3A_114 = arith.constant 0 : i32
      %dma_wait3A_115 = tpu.memref_slice %arg7[%add3A_113, %dma_wait3A_114] : memref<40x128xi32, #tpu.memory_space<vmem>> -> memref<1x128xi32, #tpu.memory_space<vmem>>
      %dma_wait3A_116 = tpu.memref_squeeze %dma_wait3A_115 : memref<1x128xi32, #tpu.memory_space<vmem>> -> memref<128xi32, #tpu.memory_space<vmem>>
      %dma_wait3A_117 = arith.constant 0 : i32
      %dma_wait3A_118 = arith.constant 0 : i32
      %dma_wait3A_119 = tpu.memref_slice %arg12[%dma_wait3A_117, %dma_wait3A_118] : memref<10240x64xf32, #tpu.memory_space<vmem_shared>> -> memref<10240x64xf32, #tpu.memory_space<vmem_shared>>
      tpu.wait_indirect_dma semaphore(%arg18 : memref<!tpu.dma_semaphore, #tpu.memory_space<semaphore_mem>>) src(%arg8 : memref<128x64xf32, #tpu.memory_space<vmem>>) dst(%dma_wait3A_119 : memref<10240x64xf32, #tpu.memory_space<vmem_shared>>)
      %add3A_120 = arith.constant 4 : i32
      %add3A_121 = arith.addi %mul3A_48, %add3A_120 : i32
      %add3A_122 = arith.constant 0 : i32
      %add3A_123 = arith.addi %add3A_121, %add3A_122 : i32
      %lt3A = arith.constant 40 : i32
      %lt3A_124 = arith.cmpi slt, %add3A_123, %lt3A : i32
      %convert_element_type3A = arith.extui %lt3A_124 : i1 to i32
      %cond3A = arith.constant 0 : i32
      %cond3A_125 = arith.cmpi ne, %convert_element_type3A, %cond3A : i32
      scf.if %cond3A_125 {
        %dma_start3A_177 = arith.constant 0 : i32
        %dma_start3A_178 = tpu.memref_slice %arg6[%add3A_123, %dma_start3A_177] : memref<40x128xi32, #tpu.memory_space<vmem>> -> memref<1x128xi32, #tpu.memory_space<vmem>>
        %dma_start3A_179 = tpu.memref_squeeze %dma_start3A_178 : memref<1x128xi32, #tpu.memory_space<vmem>> -> memref<128xi32, #tpu.memory_space<vmem>>
        %dma_start3A_180 = arith.constant 0 : i32
        %dma_start3A_181 = arith.constant 0 : i32
        %dma_start3A_182 = tpu.memref_slice %arg13[%dma_start3A_180, %dma_start3A_181] : memref<10240x64xf32, #tpu.memory_space<vmem_shared>> -> memref<10240x64xf32, #tpu.memory_space<vmem_shared>>
        tpu.enqueue_indirect_dma source(%dma_start3A_182 : memref<10240x64xf32, #tpu.memory_space<vmem_shared>>) target(%arg8 : memref<128x64xf32, #tpu.memory_space<vmem>>) offsets(%dma_start3A_179 : memref<128xi32, #tpu.memory_space<vmem>>) semaphore(%arg14 : memref<!tpu.dma_semaphore, #tpu.memory_space<semaphore_mem>>)
      } else {
      }
      %add3A_126 = arith.constant 1 : i32
      %add3A_127 = arith.addi %mul3A_48, %add3A_126 : i32
      %dma_wait3A_128 = arith.constant 0 : i32
      %dma_wait3A_129 = tpu.memref_slice %arg7[%add3A_127, %dma_wait3A_128] : memref<40x128xi32, #tpu.memory_space<vmem>> -> memref<1x128xi32, #tpu.memory_space<vmem>>
      %dma_wait3A_130 = tpu.memref_squeeze %dma_wait3A_129 : memref<1x128xi32, #tpu.memory_space<vmem>> -> memref<128xi32, #tpu.memory_space<vmem>>
      %dma_wait3A_131 = arith.constant 0 : i32
      %dma_wait3A_132 = arith.constant 0 : i32
      %dma_wait3A_133 = tpu.memref_slice %arg12[%dma_wait3A_131, %dma_wait3A_132] : memref<10240x64xf32, #tpu.memory_space<vmem_shared>> -> memref<10240x64xf32, #tpu.memory_space<vmem_shared>>
      tpu.wait_indirect_dma semaphore(%arg19 : memref<!tpu.dma_semaphore, #tpu.memory_space<semaphore_mem>>) src(%arg9 : memref<128x64xf32, #tpu.memory_space<vmem>>) dst(%dma_wait3A_133 : memref<10240x64xf32, #tpu.memory_space<vmem_shared>>)
      %add3A_134 = arith.constant 4 : i32
      %add3A_135 = arith.addi %mul3A_48, %add3A_134 : i32
      %add3A_136 = arith.constant 1 : i32
      %add3A_137 = arith.addi %add3A_135, %add3A_136 : i32
      %lt3A_138 = arith.constant 40 : i32
      %lt3A_139 = arith.cmpi slt, %add3A_137, %lt3A_138 : i32
      %convert_element_type3A_140 = arith.extui %lt3A_139 : i1 to i32
      %cond3A_141 = arith.constant 0 : i32
      %cond3A_142 = arith.cmpi ne, %convert_element_type3A_140, %cond3A_141 : i32
      scf.if %cond3A_142 {
        %dma_start3A_177 = arith.constant 0 : i32
        %dma_start3A_178 = tpu.memref_slice %arg6[%add3A_137, %dma_start3A_177] : memref<40x128xi32, #tpu.memory_space<vmem>> -> memref<1x128xi32, #tpu.memory_space<vmem>>
        %dma_start3A_179 = tpu.memref_squeeze %dma_start3A_178 : memref<1x128xi32, #tpu.memory_space<vmem>> -> memref<128xi32, #tpu.memory_space<vmem>>
        %dma_start3A_180 = arith.constant 0 : i32
        %dma_start3A_181 = arith.constant 0 : i32
        %dma_start3A_182 = tpu.memref_slice %arg13[%dma_start3A_180, %dma_start3A_181] : memref<10240x64xf32, #tpu.memory_space<vmem_shared>> -> memref<10240x64xf32, #tpu.memory_space<vmem_shared>>
        tpu.enqueue_indirect_dma source(%dma_start3A_182 : memref<10240x64xf32, #tpu.memory_space<vmem_shared>>) target(%arg9 : memref<128x64xf32, #tpu.memory_space<vmem>>) offsets(%dma_start3A_179 : memref<128xi32, #tpu.memory_space<vmem>>) semaphore(%arg15 : memref<!tpu.dma_semaphore, #tpu.memory_space<semaphore_mem>>)
      } else {
      }
      %add3A_143 = arith.constant 2 : i32
      %add3A_144 = arith.addi %mul3A_48, %add3A_143 : i32
      %dma_wait3A_145 = arith.constant 0 : i32
      %dma_wait3A_146 = tpu.memref_slice %arg7[%add3A_144, %dma_wait3A_145] : memref<40x128xi32, #tpu.memory_space<vmem>> -> memref<1x128xi32, #tpu.memory_space<vmem>>
      %dma_wait3A_147 = tpu.memref_squeeze %dma_wait3A_146 : memref<1x128xi32, #tpu.memory_space<vmem>> -> memref<128xi32, #tpu.memory_space<vmem>>
      %dma_wait3A_148 = arith.constant 0 : i32
      %dma_wait3A_149 = arith.constant 0 : i32
      %dma_wait3A_150 = tpu.memref_slice %arg12[%dma_wait3A_148, %dma_wait3A_149] : memref<10240x64xf32, #tpu.memory_space<vmem_shared>> -> memref<10240x64xf32, #tpu.memory_space<vmem_shared>>
      tpu.wait_indirect_dma semaphore(%arg20 : memref<!tpu.dma_semaphore, #tpu.memory_space<semaphore_mem>>) src(%arg10 : memref<128x64xf32, #tpu.memory_space<vmem>>) dst(%dma_wait3A_150 : memref<10240x64xf32, #tpu.memory_space<vmem_shared>>)
      %add3A_151 = arith.constant 4 : i32
      %add3A_152 = arith.addi %mul3A_48, %add3A_151 : i32
      %add3A_153 = arith.constant 2 : i32
      %add3A_154 = arith.addi %add3A_152, %add3A_153 : i32
      %lt3A_155 = arith.constant 40 : i32
      %lt3A_156 = arith.cmpi slt, %add3A_154, %lt3A_155 : i32
      %convert_element_type3A_157 = arith.extui %lt3A_156 : i1 to i32
      %cond3A_158 = arith.constant 0 : i32
      %cond3A_159 = arith.cmpi ne, %convert_element_type3A_157, %cond3A_158 : i32
      scf.if %cond3A_159 {
        %dma_start3A_177 = arith.constant 0 : i32
        %dma_start3A_178 = tpu.memref_slice %arg6[%add3A_154, %dma_start3A_177] : memref<40x128xi32, #tpu.memory_space<vmem>> -> memref<1x128xi32, #tpu.memory_space<vmem>>
        %dma_start3A_179 = tpu.memref_squeeze %dma_start3A_178 : memref<1x128xi32, #tpu.memory_space<vmem>> -> memref<128xi32, #tpu.memory_space<vmem>>
        %dma_start3A_180 = arith.constant 0 : i32
        %dma_start3A_181 = arith.constant 0 : i32
        %dma_start3A_182 = tpu.memref_slice %arg13[%dma_start3A_180, %dma_start3A_181] : memref<10240x64xf32, #tpu.memory_space<vmem_shared>> -> memref<10240x64xf32, #tpu.memory_space<vmem_shared>>
        tpu.enqueue_indirect_dma source(%dma_start3A_182 : memref<10240x64xf32, #tpu.memory_space<vmem_shared>>) target(%arg10 : memref<128x64xf32, #tpu.memory_space<vmem>>) offsets(%dma_start3A_179 : memref<128xi32, #tpu.memory_space<vmem>>) semaphore(%arg16 : memref<!tpu.dma_semaphore, #tpu.memory_space<semaphore_mem>>)
      } else {
      }
      %add3A_160 = arith.constant 3 : i32
      %add3A_161 = arith.addi %mul3A_48, %add3A_160 : i32
      %dma_wait3A_162 = arith.constant 0 : i32
      %dma_wait3A_163 = tpu.memref_slice %arg7[%add3A_161, %dma_wait3A_162] : memref<40x128xi32, #tpu.memory_space<vmem>> -> memref<1x128xi32, #tpu.memory_space<vmem>>
      %dma_wait3A_164 = tpu.memref_squeeze %dma_wait3A_163 : memref<1x128xi32, #tpu.memory_space<vmem>> -> memref<128xi32, #tpu.memory_space<vmem>>
      %dma_wait3A_165 = arith.constant 0 : i32
      %dma_wait3A_166 = arith.constant 0 : i32
      %dma_wait3A_167 = tpu.memref_slice %arg12[%dma_wait3A_165, %dma_wait3A_166] : memref<10240x64xf32, #tpu.memory_space<vmem_shared>> -> memref<10240x64xf32, #tpu.memory_space<vmem_shared>>
      tpu.wait_indirect_dma semaphore(%arg21 : memref<!tpu.dma_semaphore, #tpu.memory_space<semaphore_mem>>) src(%arg11 : memref<128x64xf32, #tpu.memory_space<vmem>>) dst(%dma_wait3A_167 : memref<10240x64xf32, #tpu.memory_space<vmem_shared>>)
      %add3A_168 = arith.constant 4 : i32
      %add3A_169 = arith.addi %mul3A_48, %add3A_168 : i32
      %add3A_170 = arith.constant 3 : i32
      %add3A_171 = arith.addi %add3A_169, %add3A_170 : i32
      %lt3A_172 = arith.constant 40 : i32
      %lt3A_173 = arith.cmpi slt, %add3A_171, %lt3A_172 : i32
      %convert_element_type3A_174 = arith.extui %lt3A_173 : i1 to i32
      %cond3A_175 = arith.constant 0 : i32
      %cond3A_176 = arith.cmpi ne, %convert_element_type3A_174, %cond3A_175 : i32
      scf.if %cond3A_176 {
        %dma_start3A_177 = arith.constant 0 : i32
        %dma_start3A_178 = tpu.memref_slice %arg6[%add3A_171, %dma_start3A_177] : memref<40x128xi32, #tpu.memory_space<vmem>> -> memref<1x128xi32, #tpu.memory_space<vmem>>
        %dma_start3A_179 = tpu.memref_squeeze %dma_start3A_178 : memref<1x128xi32, #tpu.memory_space<vmem>> -> memref<128xi32, #tpu.memory_space<vmem>>
        %dma_start3A_180 = arith.constant 0 : i32
        %dma_start3A_181 = arith.constant 0 : i32
        %dma_start3A_182 = tpu.memref_slice %arg13[%dma_start3A_180, %dma_start3A_181] : memref<10240x64xf32, #tpu.memory_space<vmem_shared>> -> memref<10240x64xf32, #tpu.memory_space<vmem_shared>>
        tpu.enqueue_indirect_dma source(%dma_start3A_182 : memref<10240x64xf32, #tpu.memory_space<vmem_shared>>) target(%arg11 : memref<128x64xf32, #tpu.memory_space<vmem>>) offsets(%dma_start3A_179 : memref<128xi32, #tpu.memory_space<vmem>>) semaphore(%arg17 : memref<!tpu.dma_semaphore, #tpu.memory_space<semaphore_mem>>)
      } else {
      }
    }
    %scan3A_40 = arith.constant 10 : i32
    %barrier3A_41 = arith.constant 0 : index
    tpu.barrier barrier_id(%barrier3A_41)
    %mul3A_42 = arith.constant 640 : i32
    %mul3A_43 = arith.muli %arg1, %mul3A_42 : i32
    %mul3A_44 = arith.constant 640 : i32
    %mul3A_45 = arith.muli %arg1, %mul3A_44 : i32
    "tpu.region"() ({
      %run_scoped3A = tpu.sem_alloc : memref<!tpu.dma_semaphore, #tpu.memory_space<semaphore_mem>>
      %dma_start3A_46 = arith.constant 0 : i32
      %dma_start3A_47 = tpu.memref_slice %arg5[%arg0, %mul3A_45, %dma_start3A_46] : memref<2x10240x64xf32, #tpu.memory_space<hbm>> -> memref<1x640x64xf32, #tpu.memory_space<hbm>>
      %dma_start3A_48 = tpu.memref_squeeze %dma_start3A_47 : memref<1x640x64xf32, #tpu.memory_space<hbm>> -> memref<640x64xf32, #tpu.memory_space<hbm>>
      %dma_start3A_49 = arith.constant 0 : i32
      %dma_start3A_50 = tpu.memref_slice %arg12[%mul3A_43, %dma_start3A_49] : memref<10240x64xf32, #tpu.memory_space<vmem_shared>> -> memref<640x64xf32, #tpu.memory_space<vmem_shared>>
      tpu.enqueue_dma source(%dma_start3A_50 : memref<640x64xf32, #tpu.memory_space<vmem_shared>>) target(%dma_start3A_48 : memref<640x64xf32, #tpu.memory_space<hbm>>) target_semaphore(%run_scoped3A : memref<!tpu.dma_semaphore, #tpu.memory_space<semaphore_mem>>)
      %dma_wait3A = arith.constant 0 : i32
      %dma_wait3A_51 = tpu.memref_slice %arg5[%arg0, %mul3A_45, %dma_wait3A] : memref<2x10240x64xf32, #tpu.memory_space<hbm>> -> memref<1x640x64xf32, #tpu.memory_space<hbm>>
      %dma_wait3A_52 = tpu.memref_squeeze %dma_wait3A_51 : memref<1x640x64xf32, #tpu.memory_space<hbm>> -> memref<640x64xf32, #tpu.memory_space<hbm>>
      %dma_wait3A_53 = arith.constant 0 : i32
      %dma_wait3A_54 = tpu.memref_slice %arg12[%mul3A_43, %dma_wait3A_53] : memref<10240x64xf32, #tpu.memory_space<vmem_shared>> -> memref<640x64xf32, #tpu.memory_space<vmem_shared>>
      tpu.wait_dma2 semaphore(%run_scoped3A : memref<!tpu.dma_semaphore, #tpu.memory_space<semaphore_mem>>) src(%dma_wait3A_54 : memref<640x64xf32, #tpu.memory_space<vmem_shared>>) dst(%dma_wait3A_52 : memref<640x64xf32, #tpu.memory_space<hbm>>)
      tpu.yield
    }) : () -> ()
    return
  }
}

module attributes {stable_mosaic.version = 14 : i64} {
  func.func @_a_body(%arg0: i32, %arg1: memref<2x512x16xf32, #tpu.memory_space<vmem>>, %arg2: memref<512x128xf32, #tpu.memory_space<vmem>>, %arg3: memref<128x64xf32, #tpu.memory_space<vmem>>, %arg4: memref<512x64xf32, #tpu.memory_space<vmem>>, %arg5: memref<512x1xf32, #tpu.memory_space<vmem>>) attributes {dimension_semantics = [#tpu.dimension_semantics<arbitrary>], iteration_bounds = array<i64: 20>, scalar_prefetch = 0 : i64, scratch_operands = 0 : i64, tpu.core_type = #tpu.core_type<tc>, window_params = [{transform_indices = @transform_0, window_bounds = array<i64: 2, 512, 16>}, {transform_indices = @transform_1, window_bounds = array<i64: 512, 128>}, {pipeline_mode = #tpu.pipeline_mode<synchronous>, transform_indices = @transform_2, window_bounds = array<i64: 128, 64>}, {transform_indices = @transform_3, window_bounds = array<i64: 512, 64>}, {transform_indices = @transform_4, window_bounds = array<i64: 512, 1>}]} {
    %get3A = arith.constant 0 : index
    %get3A_0 = arith.constant 0 : index
    %get3A_1 = arith.constant 0 : index
    %get3A_2 = vector.load %arg1[%get3A, %get3A_0, %get3A_1] : memref<2x512x16xf32, #tpu.memory_space<vmem>>, vector<1x512x1xf32>
    %get3A_3 = vector.shape_cast %get3A_2 : vector<1x512x1xf32> to vector<512xf32>
    %get3A_4 = arith.constant 1 : index
    %get3A_5 = arith.constant 0 : index
    %get3A_6 = arith.constant 0 : index
    %get3A_7 = vector.load %arg1[%get3A_4, %get3A_5, %get3A_6] : memref<2x512x16xf32, #tpu.memory_space<vmem>>, vector<1x512x1xf32>
    %get3A_8 = vector.shape_cast %get3A_7 : vector<1x512x1xf32> to vector<512xf32>
    %add3A = arith.addf %get3A_3, %get3A_8 : vector<512xf32>
    %add3A_9 = arith.constant 1.000000e+00 : f32
    %add3A_10 = vector.broadcast %add3A_9 : f32 to vector<512xf32>
    %add3A_11 = arith.addf %add3A, %add3A_10 : vector<512xf32>
    %rsqrt3A = math.rsqrt %add3A_11 : vector<512xf32>
    %get3A_12 = arith.constant 0 : index
    %get3A_13 = arith.constant 0 : index
    %get3A_14 = vector.load %arg2[%get3A_12, %get3A_13] : memref<512x128xf32, #tpu.memory_space<vmem>>, vector<512x128xf32>
    %get3A_15 = arith.constant 0 : index
    %get3A_16 = arith.constant 0 : index
    %get3A_17 = vector.load %arg3[%get3A_15, %get3A_16] : memref<128x64xf32, #tpu.memory_space<vmem>>, vector<128x64xf32>
    %dot_general3A = arith.constant dense<0.000000e+00> : vector<512x64xf32>
    %dot_general3A_18 = tpu.matmul %get3A_14, %get3A_17, %dot_general3A {dimension_numbers = #tpu.dot_dimension_numbers<[1], [0], [0], [1], [0, 0, 1, 1], [], []>, transpose_lhs_hint = false} : vector<512x128xf32>, vector<128x64xf32>, vector<512x64xf32> -> vector<512x64xf32>
    %broadcast_in_dim3A = vector.shape_cast %rsqrt3A : vector<512xf32> to vector<512x1xf32>
    %mul3A = vector.broadcast %broadcast_in_dim3A : vector<512x1xf32> to vector<512x64xf32>
    %mul3A_19 = arith.mulf %dot_general3A_18, %mul3A : vector<512x64xf32>
    %swap3A = arith.constant 0 : index
    %swap3A_20 = arith.constant 0 : index
    %swap3A_21 = vector.load %arg4[%swap3A, %swap3A_20] : memref<512x64xf32, #tpu.memory_space<vmem>>, vector<512x64xf32>
    tpu.vector_store %arg4[%swap3A, %swap3A_20], %mul3A_19 {strides = array<i32>} : memref<512x64xf32, #tpu.memory_space<vmem>>, vector<512x64xf32>,
    %broadcast_in_dim3A_22 = vector.shape_cast %rsqrt3A : vector<512xf32> to vector<512x1xf32>
    %swap3A_23 = arith.constant 0 : index
    %swap3A_24 = arith.constant 0 : index
    %swap3A_25 = vector.load %arg5[%swap3A_23, %swap3A_24] : memref<512x1xf32, #tpu.memory_space<vmem>>, vector<512x1xf32>
    tpu.vector_store %arg5[%swap3A_23, %swap3A_24], %broadcast_in_dim3A_22 {strides = array<i32>} : memref<512x1xf32, #tpu.memory_space<vmem>>, vector<512x1xf32>,
    return
  }
  func.func @transform_0(%arg0: i32) -> (i32, i32, i32) {
    %c0_i32 = arith.constant 0 : i32
    %c0_i32_0 = arith.constant 0 : i32
    %c0_i32_1 = arith.constant 0 : i32
    return %c0_i32, %arg0, %c0_i32_0 : i32, i32, i32
  }
  func.func @transform_1(%arg0: i32) -> (i32, i32) {
    %c0_i32 = arith.constant 0 : i32
    %c0_i32_0 = arith.constant 0 : i32
    return %arg0, %c0_i32 : i32, i32
  }
  func.func @transform_2(%arg0: i32) -> (i32, i32) {
    %c0_i32 = arith.constant 0 : i32
    %c0_i32_0 = arith.constant 0 : i32
    %c0_i32_1 = arith.constant 0 : i32
    return %c0_i32, %c0_i32_0 : i32, i32
  }
  func.func @transform_3(%arg0: i32) -> (i32, i32) {
    %c0_i32 = arith.constant 0 : i32
    %c0_i32_0 = arith.constant 0 : i32
    return %arg0, %c0_i32 : i32, i32
  }
  func.func @transform_4(%arg0: i32) -> (i32, i32) {
    %c0_i32 = arith.constant 0 : i32
    %c0_i32_0 = arith.constant 0 : i32
    return %arg0, %c0_i32 : i32, i32
  }
}

module attributes {stable_mosaic.version = 14 : i64} {
  func.func @_b_body(%arg0: i32, %arg1: memref<2x512x64xf32, #tpu.memory_space<vmem>>, %arg2: memref<512x64xf32, #tpu.memory_space<vmem>>, %arg3: memref<512x1xf32, #tpu.memory_space<vmem>>, %arg4: memref<1x64xf32, #tpu.memory_space<vmem>>, %arg5: memref<64x64xf32, #tpu.memory_space<vmem>>, %arg6: memref<512x64xf32, #tpu.memory_space<vmem>>) attributes {dimension_semantics = [#tpu.dimension_semantics<arbitrary>], iteration_bounds = array<i64: 20>, scalar_prefetch = 0 : i64, scratch_operands = 0 : i64, tpu.core_type = #tpu.core_type<tc>, window_params = [{transform_indices = @transform_0, window_bounds = array<i64: 2, 512, 64>}, {transform_indices = @transform_1, window_bounds = array<i64: 512, 64>}, {transform_indices = @transform_2, window_bounds = array<i64: 512, 1>}, {pipeline_mode = #tpu.pipeline_mode<synchronous>, transform_indices = @transform_3, window_bounds = array<i64: 1, 64>}, {pipeline_mode = #tpu.pipeline_mode<synchronous>, transform_indices = @transform_4, window_bounds = array<i64: 64, 64>}, {transform_indices = @transform_5, window_bounds = array<i64: 512, 64>}]} {
    %get3A = arith.constant 0 : index
    %get3A_0 = arith.constant 0 : index
    %get3A_1 = arith.constant 0 : index
    %get3A_2 = vector.load %arg1[%get3A, %get3A_0, %get3A_1] : memref<2x512x64xf32, #tpu.memory_space<vmem>>, vector<1x512x64xf32>
    %get3A_3 = vector.shape_cast %get3A_2 : vector<1x512x64xf32> to vector<512x64xf32>
    %get3A_4 = arith.constant 1 : index
    %get3A_5 = arith.constant 0 : index
    %get3A_6 = arith.constant 0 : index
    %get3A_7 = vector.load %arg1[%get3A_4, %get3A_5, %get3A_6] : memref<2x512x64xf32, #tpu.memory_space<vmem>>, vector<1x512x64xf32>
    %get3A_8 = vector.shape_cast %get3A_7 : vector<1x512x64xf32> to vector<512x64xf32>
    %add3A = arith.addf %get3A_3, %get3A_8 : vector<512x64xf32>
    %get3A_9 = arith.constant 0 : index
    %get3A_10 = arith.constant 0 : index
    %get3A_11 = vector.load %arg2[%get3A_9, %get3A_10] : memref<512x64xf32, #tpu.memory_space<vmem>>, vector<512x64xf32>
    %sub3A = arith.subf %add3A, %get3A_11 : vector<512x64xf32>
    %get3A_12 = arith.constant 0 : index
    %get3A_13 = arith.constant 0 : index
    %get3A_14 = vector.load %arg3[%get3A_12, %get3A_13] : memref<512x1xf32, #tpu.memory_space<vmem>>, vector<512x1xf32>
    %mul3A = vector.broadcast %get3A_14 : vector<512x1xf32> to vector<512x64xf32>
    %mul3A_15 = arith.mulf %sub3A, %mul3A : vector<512x64xf32>
    %get3A_16 = arith.constant 0 : index
    %get3A_17 = arith.constant 0 : index
    %get3A_18 = vector.load %arg4[%get3A_16, %get3A_17] : memref<1x64xf32, #tpu.memory_space<vmem>>, vector<1x64xf32>
    %add3A_19 = vector.broadcast %get3A_18 : vector<1x64xf32> to vector<512x64xf32>
    %add3A_20 = arith.addf %mul3A_15, %add3A_19 : vector<512x64xf32>
    %max3A = arith.constant 0.000000e+00 : f32
    %max3A_21 = vector.broadcast %max3A : f32 to vector<512x64xf32>
    %max3A_22 = arith.maximumf %add3A_20, %max3A_21 : vector<512x64xf32>
    %get3A_23 = arith.constant 0 : index
    %get3A_24 = arith.constant 0 : index
    %get3A_25 = vector.load %arg5[%get3A_23, %get3A_24] : memref<64x64xf32, #tpu.memory_space<vmem>>, vector<64x64xf32>
    %dot_general3A = arith.constant dense<0.000000e+00> : vector<512x64xf32>
    %dot_general3A_26 = tpu.matmul %max3A_22, %get3A_25, %dot_general3A {dimension_numbers = #tpu.dot_dimension_numbers<[1], [0], [0], [1], [0, 0, 1, 1], [], []>, transpose_lhs_hint = false} : vector<512x64xf32>, vector<64x64xf32>, vector<512x64xf32> -> vector<512x64xf32>
    %get3A_27 = arith.constant 0 : index
    %get3A_28 = arith.constant 0 : index
    %get3A_29 = vector.load %arg3[%get3A_27, %get3A_28] : memref<512x1xf32, #tpu.memory_space<vmem>>, vector<512x1xf32>
    %mul3A_30 = vector.broadcast %get3A_29 : vector<512x1xf32> to vector<512x64xf32>
    %mul3A_31 = arith.mulf %dot_general3A_26, %mul3A_30 : vector<512x64xf32>
    %swap3A = arith.constant 0 : index
    %swap3A_32 = arith.constant 0 : index
    %swap3A_33 = vector.load %arg6[%swap3A, %swap3A_32] : memref<512x64xf32, #tpu.memory_space<vmem>>, vector<512x64xf32>
    tpu.vector_store %arg6[%swap3A, %swap3A_32], %mul3A_31 {strides = array<i32>} : memref<512x64xf32, #tpu.memory_space<vmem>>, vector<512x64xf32>,
    return
  }
  func.func @transform_0(%arg0: i32) -> (i32, i32, i32) {
    %c0_i32 = arith.constant 0 : i32
    %c0_i32_0 = arith.constant 0 : i32
    %c0_i32_1 = arith.constant 0 : i32
    return %c0_i32, %arg0, %c0_i32_0 : i32, i32, i32
  }
  func.func @transform_1(%arg0: i32) -> (i32, i32) {
    %c0_i32 = arith.constant 0 : i32
    %c0_i32_0 = arith.constant 0 : i32
    return %arg0, %c0_i32 : i32, i32
  }
  func.func @transform_2(%arg0: i32) -> (i32, i32) {
    %c0_i32 = arith.constant 0 : i32
    %c0_i32_0 = arith.constant 0 : i32
    return %arg0, %c0_i32 : i32, i32
  }
  func.func @transform_3(%arg0: i32) -> (i32, i32) {
    %c0_i32 = arith.constant 0 : i32
    %c0_i32_0 = arith.constant 0 : i32
    %c0_i32_1 = arith.constant 0 : i32
    return %c0_i32, %c0_i32_0 : i32, i32
  }
  func.func @transform_4(%arg0: i32) -> (i32, i32) {
    %c0_i32 = arith.constant 0 : i32
    %c0_i32_0 = arith.constant 0 : i32
    %c0_i32_1 = arith.constant 0 : i32
    return %c0_i32, %c0_i32_0 : i32, i32
  }
  func.func @transform_5(%arg0: i32) -> (i32, i32) {
    %c0_i32 = arith.constant 0 : i32
    %c0_i32_0 = arith.constant 0 : i32
    return %arg0, %c0_i32 : i32, i32
  }
}

module attributes {stable_mosaic.version = 14 : i64} {
  func.func @_c_body(%arg0: i32, %arg1: memref<2x512x64xf32, #tpu.memory_space<vmem>>, %arg2: memref<512x64xf32, #tpu.memory_space<vmem>>, %arg3: memref<512x1xf32, #tpu.memory_space<vmem>>, %arg4: memref<1x64xf32, #tpu.memory_space<vmem>>, %arg5: memref<64x3xf32, #tpu.memory_space<vmem>>, %arg6: memref<1x3xf32, #tpu.memory_space<vmem>>, %arg7: memref<64x3xf32, #tpu.memory_space<vmem>>, %arg8: memref<1x3xf32, #tpu.memory_space<vmem>>, %arg9: memref<512x3xf32, #tpu.memory_space<vmem>>, %arg10: memref<512x3xf32, #tpu.memory_space<vmem>>, %arg11: memref<512x3xf32, #tpu.memory_space<vmem>>, %arg12: memref<512x8xf32, #tpu.memory_space<vmem>>) attributes {dimension_semantics = [#tpu.dimension_semantics<arbitrary>], iteration_bounds = array<i64: 20>, scalar_prefetch = 0 : i64, scratch_operands = 0 : i64, tpu.core_type = #tpu.core_type<tc>, window_params = [{transform_indices = @transform_0, window_bounds = array<i64: 2, 512, 64>}, {transform_indices = @transform_1, window_bounds = array<i64: 512, 64>}, {transform_indices = @transform_2, window_bounds = array<i64: 512, 1>}, {pipeline_mode = #tpu.pipeline_mode<synchronous>, transform_indices = @transform_3, window_bounds = array<i64: 1, 64>}, {pipeline_mode = #tpu.pipeline_mode<synchronous>, transform_indices = @transform_4, window_bounds = array<i64: 64, 3>}, {pipeline_mode = #tpu.pipeline_mode<synchronous>, transform_indices = @transform_5, window_bounds = array<i64: 1, 3>}, {pipeline_mode = #tpu.pipeline_mode<synchronous>, transform_indices = @transform_6, window_bounds = array<i64: 64, 3>}, {pipeline_mode = #tpu.pipeline_mode<synchronous>, transform_indices = @transform_7, window_bounds = array<i64: 1, 3>}, {transform_indices = @transform_8, window_bounds = array<i64: 512, 3>}, {transform_indices = @transform_9, window_bounds = array<i64: 512, 3>}, {transform_indices = @transform_10, window_bounds = array<i64: 512, 3>}, {transform_indices = @transform_11, window_bounds = array<i64: 512, 8>}]} {
    %get3A = arith.constant 0 : index
    %get3A_0 = arith.constant 0 : index
    %get3A_1 = arith.constant 0 : index
    %get3A_2 = vector.load %arg1[%get3A, %get3A_0, %get3A_1] : memref<2x512x64xf32, #tpu.memory_space<vmem>>, vector<1x512x64xf32>
    %get3A_3 = vector.shape_cast %get3A_2 : vector<1x512x64xf32> to vector<512x64xf32>
    %get3A_4 = arith.constant 1 : index
    %get3A_5 = arith.constant 0 : index
    %get3A_6 = arith.constant 0 : index
    %get3A_7 = vector.load %arg1[%get3A_4, %get3A_5, %get3A_6] : memref<2x512x64xf32, #tpu.memory_space<vmem>>, vector<1x512x64xf32>
    %get3A_8 = vector.shape_cast %get3A_7 : vector<1x512x64xf32> to vector<512x64xf32>
    %add3A = arith.addf %get3A_3, %get3A_8 : vector<512x64xf32>
    %get3A_9 = arith.constant 0 : index
    %get3A_10 = arith.constant 0 : index
    %get3A_11 = vector.load %arg2[%get3A_9, %get3A_10] : memref<512x64xf32, #tpu.memory_space<vmem>>, vector<512x64xf32>
    %sub3A = arith.subf %add3A, %get3A_11 : vector<512x64xf32>
    %get3A_12 = arith.constant 0 : index
    %get3A_13 = arith.constant 0 : index
    %get3A_14 = vector.load %arg3[%get3A_12, %get3A_13] : memref<512x1xf32, #tpu.memory_space<vmem>>, vector<512x1xf32>
    %mul3A = vector.broadcast %get3A_14 : vector<512x1xf32> to vector<512x64xf32>
    %mul3A_15 = arith.mulf %sub3A, %mul3A : vector<512x64xf32>
    %get3A_16 = arith.constant 0 : index
    %get3A_17 = arith.constant 0 : index
    %get3A_18 = vector.load %arg4[%get3A_16, %get3A_17] : memref<1x64xf32, #tpu.memory_space<vmem>>, vector<1x64xf32>
    %add3A_19 = vector.broadcast %get3A_18 : vector<1x64xf32> to vector<512x64xf32>
    %add3A_20 = arith.addf %mul3A_15, %add3A_19 : vector<512x64xf32>
    %get3A_21 = arith.constant 0 : index
    %get3A_22 = arith.constant 0 : index
    %get3A_23 = vector.load %arg5[%get3A_21, %get3A_22] : memref<64x3xf32, #tpu.memory_space<vmem>>, vector<64x3xf32>
    %dot_general3A = arith.constant dense<0.000000e+00> : vector<512x3xf32>
    %dot_general3A_24 = tpu.matmul %add3A_20, %get3A_23, %dot_general3A {dimension_numbers = #tpu.dot_dimension_numbers<[1], [0], [0], [1], [0, 0, 1, 1], [], []>, transpose_lhs_hint = false} : vector<512x64xf32>, vector<64x3xf32>, vector<512x3xf32> -> vector<512x3xf32>
    %get3A_25 = arith.constant 0 : index
    %get3A_26 = arith.constant 0 : index
    %get3A_27 = vector.load %arg6[%get3A_25, %get3A_26] : memref<1x3xf32, #tpu.memory_space<vmem>>, vector<1x3xf32>
    %add3A_28 = vector.broadcast %get3A_27 : vector<1x3xf32> to vector<512x3xf32>
    %add3A_29 = arith.addf %dot_general3A_24, %add3A_28 : vector<512x3xf32>
    %get3A_30 = arith.constant 0 : index
    %get3A_31 = arith.constant 0 : index
    %get3A_32 = vector.load %arg7[%get3A_30, %get3A_31] : memref<64x3xf32, #tpu.memory_space<vmem>>, vector<64x3xf32>
    %dot_general3A_33 = arith.constant dense<0.000000e+00> : vector<512x3xf32>
    %dot_general3A_34 = tpu.matmul %add3A_20, %get3A_32, %dot_general3A_33 {dimension_numbers = #tpu.dot_dimension_numbers<[1], [0], [0], [1], [0, 0, 1, 1], [], []>, transpose_lhs_hint = false} : vector<512x64xf32>, vector<64x3xf32>, vector<512x3xf32> -> vector<512x3xf32>
    %get3A_35 = arith.constant 0 : index
    %get3A_36 = arith.constant 0 : index
    %get3A_37 = vector.load %arg8[%get3A_35, %get3A_36] : memref<1x3xf32, #tpu.memory_space<vmem>>, vector<1x3xf32>
    %add3A_38 = vector.broadcast %get3A_37 : vector<1x3xf32> to vector<512x3xf32>
    %add3A_39 = arith.addf %dot_general3A_34, %add3A_38 : vector<512x3xf32>
    %swap3A = arith.constant 0 : index
    %swap3A_40 = arith.constant 0 : index
    %swap3A_41 = vector.load %arg10[%swap3A, %swap3A_40] : memref<512x3xf32, #tpu.memory_space<vmem>>, vector<512x3xf32>
    tpu.vector_store %arg10[%swap3A, %swap3A_40], %add3A_29 {strides = array<i32>} : memref<512x3xf32, #tpu.memory_space<vmem>>, vector<512x3xf32>,
    %swap3A_42 = arith.constant 0 : index
    %swap3A_43 = arith.constant 0 : index
    %swap3A_44 = vector.load %arg11[%swap3A_42, %swap3A_43] : memref<512x3xf32, #tpu.memory_space<vmem>>, vector<512x3xf32>
    tpu.vector_store %arg11[%swap3A_42, %swap3A_43], %add3A_39 {strides = array<i32>} : memref<512x3xf32, #tpu.memory_space<vmem>>, vector<512x3xf32>,
    %get3A_45 = arith.constant 0 : index
    %get3A_46 = arith.constant 0 : index
    %get3A_47 = vector.load %arg9[%get3A_45, %get3A_46] : memref<512x3xf32, #tpu.memory_space<vmem>>, vector<512x3xf32>
    %mul3A_48 = arith.constant 5.000000e-01 : f32
    %mul3A_49 = vector.broadcast %mul3A_48 : f32 to vector<512x3xf32>
    %mul3A_50 = arith.mulf %mul3A_49, %add3A_39 : vector<512x3xf32>
    %exp3A = math.exp %mul3A_50 : vector<512x3xf32>
    %mul3A_51 = arith.mulf %get3A_47, %exp3A : vector<512x3xf32>
    %add3A_52 = arith.addf %add3A_29, %mul3A_51 : vector<512x3xf32>
    %broadcast_in_dim3A = arith.constant 0.000000e+00 : f32
    %broadcast_in_dim3A_53 = vector.broadcast %broadcast_in_dim3A : f32 to vector<512x5xf32>
    %concatenate3A = tpu.concatenate %add3A_52, %broadcast_in_dim3A_53 in 1 : vector<512x3xf32>, vector<512x5xf32> -> vector<512x8xf32>
    %swap3A_54 = arith.constant 0 : index
    %swap3A_55 = arith.constant 0 : index
    %swap3A_56 = vector.load %arg12[%swap3A_54, %swap3A_55] : memref<512x8xf32, #tpu.memory_space<vmem>>, vector<512x8xf32>
    tpu.vector_store %arg12[%swap3A_54, %swap3A_55], %concatenate3A {strides = array<i32>} : memref<512x8xf32, #tpu.memory_space<vmem>>, vector<512x8xf32>,
    return
  }
  func.func @transform_0(%arg0: i32) -> (i32, i32, i32) {
    %c0_i32 = arith.constant 0 : i32
    %c0_i32_0 = arith.constant 0 : i32
    %c0_i32_1 = arith.constant 0 : i32
    return %c0_i32, %arg0, %c0_i32_0 : i32, i32, i32
  }
  func.func @transform_1(%arg0: i32) -> (i32, i32) {
    %c0_i32 = arith.constant 0 : i32
    %c0_i32_0 = arith.constant 0 : i32
    return %arg0, %c0_i32 : i32, i32
  }
  func.func @transform_2(%arg0: i32) -> (i32, i32) {
    %c0_i32 = arith.constant 0 : i32
    %c0_i32_0 = arith.constant 0 : i32
    return %arg0, %c0_i32 : i32, i32
  }
  func.func @transform_3(%arg0: i32) -> (i32, i32) {
    %c0_i32 = arith.constant 0 : i32
    %c0_i32_0 = arith.constant 0 : i32
    %c0_i32_1 = arith.constant 0 : i32
    return %c0_i32, %c0_i32_0 : i32, i32
  }
  func.func @transform_4(%arg0: i32) -> (i32, i32) {
    %c0_i32 = arith.constant 0 : i32
    %c0_i32_0 = arith.constant 0 : i32
    %c0_i32_1 = arith.constant 0 : i32
    return %c0_i32, %c0_i32_0 : i32, i32
  }
  func.func @transform_5(%arg0: i32) -> (i32, i32) {
    %c0_i32 = arith.constant 0 : i32
    %c0_i32_0 = arith.constant 0 : i32
    %c0_i32_1 = arith.constant 0 : i32
    return %c0_i32, %c0_i32_0 : i32, i32
  }
  func.func @transform_6(%arg0: i32) -> (i32, i32) {
    %c0_i32 = arith.constant 0 : i32
    %c0_i32_0 = arith.constant 0 : i32
    %c0_i32_1 = arith.constant 0 : i32
    return %c0_i32, %c0_i32_0 : i32, i32
  }
  func.func @transform_7(%arg0: i32) -> (i32, i32) {
    %c0_i32 = arith.constant 0 : i32
    %c0_i32_0 = arith.constant 0 : i32
    %c0_i32_1 = arith.constant 0 : i32
    return %c0_i32, %c0_i32_0 : i32, i32
  }
  func.func @transform_8(%arg0: i32) -> (i32, i32) {
    %c0_i32 = arith.constant 0 : i32
    %c0_i32_0 = arith.constant 0 : i32
    return %arg0, %c0_i32 : i32, i32
  }
  func.func @transform_9(%arg0: i32) -> (i32, i32) {
    %c0_i32 = arith.constant 0 : i32
    %c0_i32_0 = arith.constant 0 : i32
    return %arg0, %c0_i32 : i32, i32
  }
  func.func @transform_10(%arg0: i32) -> (i32, i32) {
    %c0_i32 = arith.constant 0 : i32
    %c0_i32_0 = arith.constant 0 : i32
    return %arg0, %c0_i32 : i32, i32
  }
  func.func @transform_11(%arg0: i32) -> (i32, i32) {
    %c0_i32 = arith.constant 0 : i32
    %c0_i32_0 = arith.constant 0 : i32
    return %arg0, %c0_i32 : i32, i32
  }
}

module attributes {stable_mosaic.version = 14 : i64} {
  func.func @_d_body(%arg0: i32, %arg1: i32, %arg2: memref<640x8xf32, #tpu.memory_space<vmem>>, %arg3: memref<10000x8xf32, #tpu.memory_space<vmem>>, %arg4: memref<640x10000xf32, #tpu.memory_space<vmem>>) attributes {dimension_semantics = [#tpu.dimension_semantics<arbitrary>, #tpu.dimension_semantics<arbitrary>], iteration_bounds = array<i64: 16, 1>, scalar_prefetch = 0 : i64, scratch_operands = 0 : i64, tpu.core_type = #tpu.core_type<tc>, window_params = [{transform_indices = @transform_0, window_bounds = array<i64: 640, 8>}, {transform_indices = @transform_1, window_bounds = array<i64: 10000, 8>}, {transform_indices = @transform_2, window_bounds = array<i64: 640, 10000>}]} {
    %get3A = arith.constant 0 : index
    %get3A_0 = arith.constant 0 : index
    %get3A_1 = vector.load %arg2[%get3A, %get3A_0] : memref<640x8xf32, #tpu.memory_space<vmem>>, vector<640x8xf32>
    %get3A_2 = arith.constant 0 : index
    %get3A_3 = arith.constant 0 : index
    %get3A_4 = vector.load %arg3[%get3A_2, %get3A_3] : memref<10000x8xf32, #tpu.memory_space<vmem>>, vector<10000x8xf32>
    %dot_general3A = arith.constant dense<0.000000e+00> : vector<640x10000xf32>
    %dot_general3A_5 = tpu.matmul %get3A_1, %get3A_4, %dot_general3A {dimension_numbers = #tpu.dot_dimension_numbers<[1], [1], [0], [0], [0, 0, 1, 0], [], []>, transpose_lhs_hint = false} : vector<640x8xf32>, vector<10000x8xf32>, vector<640x10000xf32> -> vector<640x10000xf32>
    %logistic3A = arith.negf %dot_general3A_5 : vector<640x10000xf32>
    %logistic3A_6 = math.exp %logistic3A : vector<640x10000xf32>
    %logistic3A_7 = arith.constant 1.000000e+00 : f32
    %logistic3A_8 = vector.broadcast %logistic3A_7 : f32 to vector<640x10000xf32>
    %logistic3A_9 = arith.addf %logistic3A_8, %logistic3A_6 : vector<640x10000xf32>
    %logistic3A_10 = arith.divf %logistic3A_8, %logistic3A_9 : vector<640x10000xf32>
    %swap3A = arith.constant 0 : index
    %swap3A_11 = arith.constant 0 : index
    %swap3A_12 = vector.load %arg4[%swap3A, %swap3A_11] : memref<640x10000xf32, #tpu.memory_space<vmem>>, vector<640x10000xf32>
    tpu.vector_store %arg4[%swap3A, %swap3A_11], %logistic3A_10 {strides = array<i32>} : memref<640x10000xf32, #tpu.memory_space<vmem>>, vector<640x10000xf32>,
    return
  }
  func.func @transform_0(%arg0: i32, %arg1: i32) -> (i32, i32) {
    %c0_i32 = arith.constant 0 : i32
    %c0_i32_0 = arith.constant 0 : i32
    return %arg0, %c0_i32 : i32, i32
  }
  func.func @transform_1(%arg0: i32, %arg1: i32) -> (i32, i32) {
    %c0_i32 = arith.constant 0 : i32
    %c0_i32_0 = arith.constant 0 : i32
    return %arg1, %c0_i32 : i32, i32
  }
  func.func @transform_2(%arg0: i32, %arg1: i32) -> (i32, i32) {
    %c0_i32 = arith.constant 0 : i32
    return %arg0, %arg1 : i32, i32
  }
}

</mosaic_0001>

<sc_bundles>
// kernel: kernel.12.cloned.1.call-start
scs
__scs_entry_jumppad:
0x0: {  	(pc) =	sbr.rel $0x88, $3  }
0x1: {  	(tag) =	ssettag $0x0;
	lr =	simm.s32 $0x1  }
0x2: {  	[smem:$0x3F97] =	sst lr;
	_ =	strace $0xD0000000  }
0x3: {  	_ = 	snop  }
0x4: {  	_ = 	snop  }
0x5: {  	_ = 	snop  }
0x6: {  	_ = 	snop  }
0x7: {  	_ = 	snop  }
__scs_overlays_trampoline_lowered:
0x8: {  	[smem:$0x3FA6] =	sst s0  }
0x9: {  	[smem:$0x3FA7] =	sst s1  }
0xa: {  	[smem:$0x3FA8] =	sst s2  }
0xb: {  	[smem:$0x3FA9] =	sst s3  }
0xc: {  	[smem:$0x3FAA] =	sst s4  }
0xd: {  	[smem:$0x3FAB] =	sst s5  }
0xe: {  	[smem:$0x3FAC] =	sst s6  }
0xf: {  	[smem:$0x3FAD] =	sst s7  }
0x10: {  	[smem:$0x3FAE] =	sst s8  }
0x11: {  	[smem:$0x3FAF] =	sst s9;
	s0 =	simm.s32 @!p0 $0x0  }
0x12: {  	s1 =	sld [smem:$0x3F95];
	s0 =	simm.s32 @p0 $0x1  }
0x13: {  	[smem:$0x3FB0] =	sst s0;
	s0 =	simm.s32 @!p1 $0x0  }
0x14: {  	s2 =	sld [smem:$0x3F94];
	s0 =	simm.s32 @p1 $0x1  }
0x15: {  	[smem:$0x3FB1] =	sst s0;
	s0 =	simm.s32 @!p2 $0x0  }
0x16: {  	s3 =	sld [smem:$0x3FDB];
	s0 =	simm.s32 @p2 $0x1  }
0x17: {  	s4 =	simm.s32 $0x1BF5;
	[smem:$0x3FB3] =	sst s0  }
0x18: {  	s0 =	sld [smem:$0x3F96];
	_ =	swait.ge [sflag:s4], $0x0  }
0x19: {  	s7 =	sld [smem:$0x3F97]  }
0x1a: {  	s8 =	sadd.s32 $0xFFFFE003, lr  }
0x1b: {  	s9 =	sadd.s32 $0xFFFFFEF7, lr;
	s5 =	simm.s32 $0xFFFFFFFF;
	p2 =	slt.u32 s8, $0xFFFFF086  }
0x1c: {  	p1 =	slt.u32 s9, $0xF7A;
	s5 =	simm.s32 @!p2 $0x0  }
0x1d: {  	s5 =	simm.s32 @p1 $0x1;
	p0 =	seq.s32 s7, s2  }
0x1e: {  	s7 =	smul.u32 @!p0 $0xF7A, s2;
	p2 =	seq.s32 @!p0 s5, $0x0  }
0x1f: {  	s9 =	smul.u32 $0xF7A, s1;
	s8 =	simm.s32 @!p0 $0x1BF5;
	p2 =	por !p2, p0  }
0x20: {  	[sflag:s8] =	ssyncset.s32 @!p0 $0xFFFFF086;
	s6 =	sadd.s32 @!p0 s3, s7;
	s7 =	simm.s32 @!p0 $0x108  }
0x21: {  	s3 =	sadd.s32 s3, s9;
	s6 =	sadd.s32 @!p0 $0x88, s6;
	s7 =	simm.s32 @p2 $0x1082  }
0x22: {  	[simem:s7], [sflag:s8] =	dma.local @!p0 [hbm:s6], $0xF7A  }
0x23: {  	s9 =	sor.u32 $0xD0000000, s2;
	s6 =	simm.s32 $0x108;
	_ =	swait.ge @!p0 [sflag:s8], $0x0  }
0x24: {  	s3 =	sadd.s32 $0x88, s3;
	s6 =	simm.s32 @!p1 $0x1082;
	[sflag:s4] =	ssyncset.s32 $0xFFFFF086  }
0x25: {  	[simem:s6], [sflag:s4] =	dma.local [hbm:s3], $0xF7A  }
0x26: {  	[smem:$0x3F97] =	sst s1;
	(tag) =	ssettag s2;
	_ =	strace s9  }
0x27: {  	s1 =	sld [smem:$0x3FA7]  }
0x28: {  	s2 =	sld [smem:$0x3FA8]  }
0x29: {  	s4 =	sld [smem:$0x3FAA]  }
0x2a: {  	p0 =	seq.s32 s5, $0x0;
	s5 =	sld [smem:$0x3FAB]  }
0x2b: {  	s6 =	sld [smem:$0x3FAC]  }
0x2c: {  	s7 =	sld [smem:$0x3FAD]  }
0x2d: {  	s3 =	simm.s32 $0x108;
	s8 =	sld [smem:$0x3FAE]  }
0x2e: {  	s3 =	simm.s32 @!p0 $0x1082;
	s9 =	sld [smem:$0x3FAF]  }
0x2f: {  	lr =	sadd.s32 s0, s3;
	s0 =	sld [smem:$0x3FA6]  }
0x30: {  	s3 =	sld [smem:$0x3FA9]  }
0x31: {  	[smem:$0x3FB2] =	sst s10  }
0x32: {  	s10 =	sld [smem:$0x3FB0];
	_ =	sdelay $0x3  }
0x33: {  	p0 =	seq.s32 s10, $0x1;
	s10 =	sld [smem:$0x3FB2];
	_ =	sdelay $0x3  }
0x34: {  	[smem:$0x3FB2] =	sst s10  }
0x35: {  	s10 =	sld [smem:$0x3FB1];
	_ =	sdelay $0x3  }
0x36: {  	p1 =	seq.s32 s10, $0x1;
	s10 =	sld [smem:$0x3FB2];
	_ =	sdelay $0x3  }
0x37: {  	[smem:$0x3FB2] =	sst s10  }
0x38: {  	s10 =	sld [smem:$0x3FB3]  }
0x39: {  	_ = 	snop;
	(pc) =	sbr.ind lr, $3  }
0x3a: {  	_ = 	snop  }
0x3b: {  	_ = 	snop  }
0x3c: {  	p2 =	seq.s32 s10, $0x1;
	s10 =	sld [smem:$0x3FB2]  }
0x3d: {  	_ =	shalt  }
0x3e: {  	_ =	shalt  }
0x3f: {  	_ =	shalt  }
0x40: {  	_ =	shalt  }
0x41: {  	_ =	shalt  }
0x42: {  	_ =	shalt  }
0x43: {  	_ =	shalt  }
0x44: {  	_ =	shalt  }
0x45: {  	_ =	shalt  }
0x46: {  	_ =	shalt  }
0x47: {  	_ =	shalt  }
0x48: {  	_ =	shalt  }
0x49: {  	_ =	shalt  }
0x4a: {  	_ =	shalt  }
0x4b: {  	_ =	shalt  }
0x4c: {  	_ =	shalt  }
0x4d: {  	_ =	shalt  }
0x4e: {  	_ =	shalt  }
0x4f: {  	_ =	shalt  }
0x50: {  	_ =	shalt  }
0x51: {  	_ =	shalt  }
0x52: {  	_ =	shalt  }
0x53: {  	_ =	shalt  }
0x54: {  	_ =	shalt  }
0x55: {  	_ =	shalt  }
0x56: {  	_ =	shalt  }
0x57: {  	_ =	shalt  }
0x58: {  	_ =	shalt  }
0x59: {  	_ =	shalt  }
0x5a: {  	_ =	shalt  }
0x5b: {  	_ =	shalt  }
0x5c: {  	_ =	shalt  }
0x5d: {  	_ =	shalt  }
0x5e: {  	_ =	shalt  }
0x5f: {  	_ =	shalt  }
0x60: {  	_ =	shalt  }
0x61: {  	_ =	shalt  }
0x62: {  	_ =	shalt  }
0x63: {  	_ =	shalt  }
0x64: {  	_ =	shalt  }
0x65: {  	_ =	shalt  }
0x66: {  	_ =	shalt  }
0x67: {  	_ =	shalt  }
0x68: {  	_ =	shalt  }
0x69: {  	_ =	shalt  }
0x6a: {  	_ =	shalt  }
0x6b: {  	_ =	shalt  }
0x6c: {  	_ =	shalt  }
0x6d: {  	_ =	shalt  }
0x6e: {  	_ =	shalt  }
0x6f: {  	_ =	shalt  }
0x70: {  	_ =	shalt  }
0x71: {  	_ =	shalt  }
0x72: {  	_ =	shalt  }
0x73: {  	_ =	shalt  }
0x74: {  	_ =	shalt  }
0x75: {  	_ =	shalt  }
0x76: {  	_ =	shalt  }
0x77: {  	_ =	shalt  }
0x78: {  	_ =	shalt  }
0x79: {  	_ =	shalt  }
0x7a: {  	_ =	shalt  }
0x7b: {  	_ =	shalt  }
0x7c: {  	_ =	shalt  }
0x7d: {  	_ =	shalt  }
0x7e: {  	_ =	shalt  }
0x7f: {  	_ =	shalt  }
0x80: {  	_ =	shalt  }
0x81: {  	_ =	shalt  }
0x82: {  	_ =	shalt  }
0x83: {  	_ =	shalt  }
0x84: {  	_ =	shalt  }
0x85: {  	_ =	shalt  }
0x86: {  	_ =	shalt  }
0x87: {  	_ =	shalt  }
.Lfunc_end0:
.L_simem_size_0:
called_computation.1_lowered:
.L_overlay_start_0:
0x88: {  	s2 =	sld [smem:$0x3FD9]  }
0x89: {  	s3 =	sld [smem:$0x3FFE];
	_ =	sdelay $0x1  }
0x8a: {  	s1 =	srdreg.scid  }
0x8b: {  	s0 =	sand.u32 $0x1, s1  }
0x8c: {  	s14 =	sshll.u32 s0, $0xA;
	s2 =	sadd.s32 s3, s2  }
0x8d: {  	s2 =	sadd.s32 s2, s14  }
0x8e: {  	[smem:$0x3FBE] =	sst s2  }
0x8f: {  	_ = 	snop  }
0x90: {  	s2 =	sld [smem:$0x3FD0];
	_ =	sdelay $0x2  }
0x91: {  	s15 =	simm.s32 $0xA;
	s4 =	simm.s32 $0x10  }
0x92: {  	[smem:s4], [sflag:s15] =	dma.local [hbm:s2], $0x1  }
0x93: {  	_ =	swait.eq [sflag:s15], $0x1  }
0x94: {  	[sflag:s15] =	ssyncset.done $0x0  }
0x95: {  	[sflag:s15] =	ssyncadd.s32 $0xFFFFFFFF  }
0x96: {  	s16 =	sld [smem:$0x10];
	(tm) =	ssettm $0x1  }
0x97: {  	s17 =	sld [smem:$0x3FFB];
	_ =	sdelay $0x3  }
0x98: {  	_ =	strace s17  }
0x99: {  	s3 =	sld [smem:$0x3FFC];
	_ =	sdelay $0x3  }
0x9a: {  	_ =	strace s3  }
0x9b: {  	s3 =	sld [smem:$0x3FFD];
	_ =	sdelay $0x3  }
0x9c: {  	_ =	strace s3  }
0x9d: {  	_ =	strace $0x8FFFFFFF  }
0x9e: {  	s18 =	sld [smem:$0x3FDB];
	_ =	sdelay $0x1  }
0x9f: {  	s19 =	simm.s32 $_scs_section_size  }
0xa0: {  	s5 =	simm.s32 $_size__tile_overlayer_lowered;
	s6 =	simm.s32 $_tile_overlayer_lowered  }
0xa1: {  	s22 =	simm.s32 $0x1BFF;
	s21 =	sshll.u32 s6, $0x1;
	s3 =	sadd.s32 s19, s18  }
0xa2: {  	s7 =	simm.s32 $0x0;
	s20 =	sshll.u32 s5, $0x1;
	s5 =	sadd.s32 s21, s3  }
0xa3: {  	[timem:s7], [sflag:s22] =	dma.local [hbm:s5], s20  }
0xa4: {  	_ =	swait.ge [sflag:s22], s20  }
0xa5: {  	s4 =	ssub.s32 $0x0, s20;
	[sflag:s22] =	ssyncset.done $0x0  }
0xa6: {  	[sflag:s22] =	ssyncadd.s32 s4;
	_ =	sdelay $0x1  }
0xa7: {  	s23 =	simm.s32 $0x1B8B  }
0xa8: {  	_ =	swait.ge [sflag:s23], $0x1  }
0xa9: {  	[sflag:s23] =	ssyncset.done $0x0  }
0xaa: {  	s25 =	simm.s32 $0x1B8E;
	s24 =	sld [smem:$0x3FFE];
	[sflag:s23] =	ssyncadd.s32 $0xFFFFFFFF  }
0xab: {  	s26 =	simm.s32 $execute0_lowered;
	[smem:$0x3FD2] =	sst s25  }
0xac: {  	s5 =	sshll.u32 s26, $0x1;
	_ =	strace $0x80000049;
	[dreg:$0x1] =	wrdreg $0xFFFFFFFF  }
0xad: {  	s28 =	simm.s32 $_size_execute0_lowered;
	s3 =	sadd.s32 s3, s5;
	[dreg:$0x0] =	wrdreg $0x0  }
0xae: {  	s5 =	sshll.u32 s28, $0x1;
	[dreg:$0x2] =	wrdreg s3  }
0xaf: {  	[dreg:$0x3] =	wrdreg s5  }
0xb0: {  	[dreg:$0x4] =	wrdreg $0xC0  }
0xb1: {  	_ =	task [dreg:s7], $0x5FFFF  }
0xb2: {  	[dreg:$0x1] =	wrdreg $0xFFFFFFFF  }
0xb3: {  	[dreg:$0x0] =	wrdreg $0x60  }
0xb4: {  	[dreg:$0x2] =	wrdreg s16  }
0xb5: {  	[dreg:$0x3] =	wrdreg s24  }
0xb6: {  	[dreg:$0x4] =	wrdreg $0xA8000  }
0xb7: {  	[dreg:$0x5] =	wrdreg $0x148000  }
0xb8: {  	[dreg:$0x6] =	wrdreg $0x9  }
0xb9: {  	_ =	task.clear_ibuf [dreg:s7], $0x7FFFF;
	_ =	strace $0x90000049  }
0xba: {  	s29 =	simm.s32 $0x9;
	_ =	strace $0x8000004B  }
0xbb: {  	_ =	swait.ge [sflag:s29], $0x1  }
0xbc: {  	[sflag:s29] =	ssyncadd.s32 $0xFFFFFFFF  }
0xbd: {  	_ =	strace $0x9000004B  }
0xbe: {  	_ =	sfence  }
0xbf: {  	s30 =	sld [smem:$0x0];
	_ =	sdelay $0x2  }
0xc0: {  	s31 =	sshll.u32 s1, $0xD;
	s1 =	sshrl.u32 s1, $0x2  }
0xc1: {  	s3 =	sand.u32 $0x4000, s31;
	s1 =	sadd.s32 s1, s30  }
0xc2: {  	s0 =	sor.u32 s3, s0;
	s1 =	sshll.u32 s1, $0x11  }
0xc3: {  	s0 =	sor.u32 s1, s0  }
0xc4: {  	s0 =	sadd.s32 $0x8F2B, s0  }
0xc5: {  	[sflag:s0] =	ssyncadd.remote.s32 $0x1  }
0xc6: {  	_ =	sfence.sel $0xFFFF  }
0xc7: {  	[dreg:$0x0] =	wrdreg $0xFFFFFFFF;
	(pc) =	sbr.abs _section_cstart, $3  }
0xc8: {  	[dreg:$0x1] =	wrdreg $0xFFFFFFFF  }
0xc9: {  	_ =	task.clear_ibuf [dreg:s7], $0x2FFFF;
	_ =	strace $0x9FFFFFFF  }
0xca: {  	(tm) =	ssettm $0x7FFFFFFF  }
0xcb: {  	_ =	shalt  }
tec
execute0_lowered:
.L_overlay_start_1:
0x0: {  	(tag) =	ssettag $0x1  }
0x1: {  	s0 =	rddreg [dreg:$0x0]  }
0x2: {  	s1 =	rddreg [dreg:$0x1]  }
0x3: {  	s2 =	rddreg [dreg:$0x2]  }
0x4: {  	s3 =	rddreg [dreg:$0x3]  }
0x5: {  	s4 =	srdreg.scid;
	s12 =	stileid.u32  }
0x6: {  	s10 =	simm.s32 $0x9;
	s15 =	simm.s32 $0x80;
	s16 =	simm.s32 $0x2800  }
0x7: {  	s17 =	simm.s32 $0x4800;
	s19 =	simm.s32 $0x6800;
	s21 =	simm.s32 $0x8800  }
0x8: {  	s22 =	simm.s32 $0x1;
	s23 =	simm.s32 $0x2;
	s24 =	simm.s32 $0x3  }
0x9: {  	s28 =	simm.s32 $0x6;
	s29 =	simm.s32 $0x7;
	s30 =	simm.s32 $0x8  }
0xa: {  	s18 =	simm.s32 $0x0;
	s5 =	sand.u32 $0x1, s4;
	s6 =	sshll.u32 s12, $0x1  }
0xb: {  	s8 =	smul.u32 $0xA000, s12;
	s4 =	simm.s32 $0x0;
	s31 =	sshll.u32 s12, $0x6  }
0xc: {  	s6 =	sor.u32 s5, s6;
	s7 =	smul.u32 $0xA0000, s5;
	[smem:$0x7FF] =	sst s4  }
0xd: {  	s5 =	ssub.s32 $0x2, s5;
	s12 =	sor.u32 $0x1C09, s31;
	s6 =	smul.u32 $0x280, s6  }
0xe: {  	_ =	strace $0x8000004A;
	s9 =	sshrl.u32 s5, $0x1;
	s11 =	sadd.s32 s8, s2  }
0xf: {  	s25 =	sshrl.u32 s8, $0x3;
	s26 =	sadd.s32 s8, s3;
	s7 =	sadd.s32 s8, s7  }
0x10: {  	s9 =	ssub.s32 s5, s9;
	s13 =	sshrl.u32 s11, $0x3;
	s14 =	sshrl.u32 s26, $0x3  }
0x11: {  	s26 =	simm.s32 $0x5;
	s11 =	simm.s32 $0x2780;
	s7 =	sshrl.u32 s7, $0x3  }
0x12: {  	s6 =	sadd.s32 s6, s1;
	s9 =	smax.u32 s9, $0x1;
	s1 =	sadd.s32 s7, s1  }
0x13: {  	s5 =	sadd.s32 $0x12000, s6;
	s6 =	sadd.s32 $0x3000, s6;
	s7 =	sadd.s32 s0, s25  }
0x14: {  	s25 =	simm.s32 $0x4;
	s8 =	sadd.s32 $0x3E200, s1;
	s1 =	simm.s32 $0x2700  }
.LBB2_1:
0x15: {  	[tilespmem:s4], [sflag:$0x9] =	stream.linear.gather [hbm4b:s5+s4], $0x1400, $0x38;
	[tilespmem:$0x1E800] =	vst v63  }
0x16: {  	_ =	swait.ge [sflag:s10], $0x1400  }
0x17: {  	[sflag:s10] =	ssyncset.done $0x0  }
0x18: {  	s0 =	simm.s32 $0x1400;
	[sflag:s10] =	ssyncadd.s32 $0xFFFFEC00  }
0x19: {  	[tilespmem:s0], [sflag:$0x9] =	stream.linear.gather [hbm4b:s6+s4], $0x1400, $0x38;
	[tilespmem:$0x1E800] =	vst v63  }
0x1a: {  	_ =	swait.ge [sflag:s10], $0x1400  }
0x1b: {  	[sflag:s10] =	ssyncset.done $0x0  }
0x1c: {  	[sflag:s10] =	ssyncadd.s32 $0xFFFFEC00  }
0x1d: {  	[spmem:s13], [sflag:s12] =	dma.local [hbm:s7], $0x1400  }
0x1e: {  	_ =	swait.ge [sflag:s10], $0x1400  }
0x1f: {  	[sflag:s10] =	ssyncset.done $0x0  }
0x20: {  	[sflag:s10] =	ssyncadd.s32 $0xFFFFEC00  }
0x21: {  	[spmem:s14], [sflag:s12] =	dma.local [hbm:s7], $0x1400  }
0x22: {  	_ =	swait.ge [sflag:s10], $0x1400  }
0x23: {  	[sflag:s10] =	ssyncset.done $0x0  }
0x24: {  	[sflag:s10] =	ssyncadd.s32 $0xFFFFEC00  }
0x25: {  	[bflag:$0x0] =	sbarrier.arrive $0xFFFF  }
0x26: {  	[tilespmem:s16], [sflag:$0x1] =	stream.indirect.gather [spmem:s3], $0x40, s4, s15, $0xb8;
	[tilespmem:$0x1E800] =	vst v63  }
0x27: {  	_ = 	snop  }
0x28: {  	[tilespmem:s17], [sflag:$0x2] =	stream.indirect.gather [spmem:s3], $0x40, s15, s15, $0xb8;
	[tilespmem:$0x1E800] =	vst v63  }
0x29: {  	s20 =	simm.s32 $0x100  }
0x2a: {  	[tilespmem:s19], [sflag:$0x3] =	stream.indirect.gather [spmem:s3], $0x40, s20, s15, $0xb8;
	[tilespmem:$0x1E800] =	vst v63  }
0x2b: {  	s20 =	simm.s32 $0x180  }
0x2c: {  	[tilespmem:s21], [sflag:$0x4] =	stream.indirect.gather [spmem:s3], $0x40, s20, s15, $0xb8;
	[tilespmem:$0x1E800] =	vst v63  }
0x2d: {  	_ =	swait.ge [sflag:s22], $0x2000  }
0x2e: {  	[sflag:s22] =	ssyncset.done $0x0  }
0x2f: {  	s20 =	simm.s32 $0x1400;
	[sflag:s22] =	ssyncadd.s32 $0xFFFFE000  }
0x30: {  	[spmem:s2] =	stream.indirect.scatter.add.f32 [tilespmem:s16], [sflag:$0x5], $0x40, s20, s15, $0xb8;
	[tilespmem:$0x1E800] =	vst v63  }
0x31: {  	_ =	swait.ge [sflag:s23], $0x2000  }
0x32: {  	[sflag:s23] =	ssyncset.done $0x0  }
0x33: {  	s0 =	simm.s32 $0x1480;
	[sflag:s23] =	ssyncadd.s32 $0xFFFFE000  }
0x34: {  	[spmem:s2] =	stream.indirect.scatter.add.f32 [tilespmem:s17], [sflag:$0x6], $0x40, s0, s15, $0xb8;
	[tilespmem:$0x1E800] =	vst v63  }
0x35: {  	_ =	swait.ge [sflag:s24], $0x2000  }
0x36: {  	[sflag:s24] =	ssyncset.done $0x0  }
0x37: {  	s0 =	simm.s32 $0x1500;
	[sflag:s24] =	ssyncadd.s32 $0xFFFFE000  }
0x38: {  	[spmem:s2] =	stream.indirect.scatter.add.f32 [tilespmem:s19], [sflag:$0x7], $0x40, s0, s15, $0xb8;
	[tilespmem:$0x1E800] =	vst v63  }
0x39: {  	_ =	swait.ge [sflag:s25], $0x2000  }
0x3a: {  	[sflag:s25] =	ssyncset.done $0x0  }
0x3b: {  	s0 =	simm.s32 $0x1580;
	[sflag:s25] =	ssyncadd.s32 $0xFFFFE000  }
0x3c: {  	[spmem:s2] =	stream.indirect.scatter.add.f32 [tilespmem:s21], [sflag:$0x8], $0x40, s0, s15, $0xb8;
	[tilespmem:$0x1E800] =	vst v63  }
0x3d: {  	_ =	swait.ge [sflag:s26], $0x2000  }
0x3e: {  	[sflag:s26] =	ssyncset.done $0x0  }
0x3f: {  	s0 =	simm.s32 $0x200;
	[sflag:s26] =	ssyncadd.s32 $0xFFFFE000  }
0x40: {  	[tilespmem:s16], [sflag:$0x1] =	stream.indirect.gather [spmem:s3], $0x40, s0, s15, $0xb8;
	[tilespmem:$0x1E800] =	vst v63  }
0x41: {  	_ =	swait.ge [sflag:s28], $0x2000  }
0x42: {  	[sflag:s28] =	ssyncset.done $0x0  }
0x43: {  	s0 =	simm.s32 $0x280;
	[sflag:s28] =	ssyncadd.s32 $0xFFFFE000  }
0x44: {  	[tilespmem:s17], [sflag:$0x2] =	stream.indirect.gather [spmem:s3], $0x40, s0, s15, $0xb8;
	[tilespmem:$0x1E800] =	vst v63  }
0x45: {  	_ =	swait.ge [sflag:s29], $0x2000  }
0x46: {  	[sflag:s29] =	ssyncset.done $0x0  }
0x47: {  	s0 =	simm.s32 $0x300;
	[sflag:s29] =	ssyncadd.s32 $0xFFFFE000  }
0x48: {  	[tilespmem:s19], [sflag:$0x3] =	stream.indirect.gather [spmem:s3], $0x40, s0, s15, $0xb8;
	[tilespmem:$0x1E800] =	vst v63  }
0x49: {  	_ =	swait.ge [sflag:s30], $0x2000  }
0x4a: {  	[sflag:s30] =	ssyncset.done $0x0  }
0x4b: {  	s31 =	simm.s32 $0x380;
	s20 =	simm.s32 $0x800;
	[sflag:s30] =	ssyncadd.s32 $0xFFFFE000  }
.LBB2_2:
0x4c: {  	[tilespmem:s21], [sflag:$0x4] =	stream.indirect.gather [spmem:s3], $0x40, s31, s15, $0xb8;
	[tilespmem:$0x1E800] =	vst v63  }
0x4d: {  	s31 =	smov.u32 s20  }
0x4e: {  	p0 =	sne.s32 s20, $0x4000;
	s20 =	sadd.s32 $0x800, s20;
	_ =	swait.ge [sflag:s22], $0x2000  }
0x4f: {  	s31 =	sshra.s32 s31, $0x2;
	[sflag:s22] =	ssyncset.done $0x0  }
0x50: {  	s0 =	sadd.s32 $0x1400, s31;
	[sflag:s22] =	ssyncadd.s32 $0xFFFFE000  }
0x51: {  	[spmem:s2] =	stream.indirect.scatter.add.f32 [tilespmem:s16], [sflag:$0x5], $0x40, s0, s15, $0xb8;
	[tilespmem:$0x1E800] =	vst v63  }
0x52: {  	_ =	swait.ge [sflag:s23], $0x2000  }
0x53: {  	[sflag:s23] =	ssyncset.done $0x0  }
0x54: {  	s0 =	sadd.s32 $0x1480, s31;
	[sflag:s23] =	ssyncadd.s32 $0xFFFFE000  }
0x55: {  	[spmem:s2] =	stream.indirect.scatter.add.f32 [tilespmem:s17], [sflag:$0x6], $0x40, s0, s15, $0xb8;
	[tilespmem:$0x1E800] =	vst v63  }
0x56: {  	_ =	swait.ge [sflag:s24], $0x2000  }
0x57: {  	[sflag:s24] =	ssyncset.done $0x0  }
0x58: {  	s0 =	sadd.s32 $0x1500, s31;
	[sflag:s24] =	ssyncadd.s32 $0xFFFFE000  }
0x59: {  	[spmem:s2] =	stream.indirect.scatter.add.f32 [tilespmem:s19], [sflag:$0x7], $0x40, s0, s15, $0xb8;
	[tilespmem:$0x1E800] =	vst v63  }
0x5a: {  	_ =	swait.ge [sflag:s25], $0x2000  }
0x5b: {  	[sflag:s25] =	ssyncset.done $0x0  }
0x5c: {  	s0 =	sadd.s32 $0x1580, s31;
	[sflag:s25] =	ssyncadd.s32 $0xFFFFE000  }
0x5d: {  	[spmem:s2] =	stream.indirect.scatter.add.f32 [tilespmem:s21], [sflag:$0x8], $0x40, s0, s15, $0xb8;
	[tilespmem:$0x1E800] =	vst v63  }
0x5e: {  	_ =	swait.ge [sflag:s26], $0x2000  }
0x5f: {  	[sflag:s26] =	ssyncset.done $0x0  }
0x60: {  	s0 =	sadd.s32 $0x200, s31;
	[sflag:s26] =	ssyncadd.s32 $0xFFFFE000  }
0x61: {  	[tilespmem:s16], [sflag:$0x1] =	stream.indirect.gather [spmem:s3], $0x40, s0, s15, $0xb8;
	[tilespmem:$0x1E800] =	vst v63  }
0x62: {  	_ =	swait.ge [sflag:s28], $0x2000  }
0x63: {  	[sflag:s28] =	ssyncset.done $0x0  }
0x64: {  	s0 =	sadd.s32 $0x280, s31;
	[sflag:s28] =	ssyncadd.s32 $0xFFFFE000  }
0x65: {  	[tilespmem:s17], [sflag:$0x2] =	stream.indirect.gather [spmem:s3], $0x40, s0, s15, $0xb8;
	[tilespmem:$0x1E800] =	vst v63  }
0x66: {  	_ =	swait.ge [sflag:s29], $0x2000  }
0x67: {  	[sflag:s29] =	ssyncset.done $0x0  }
.Ltmp0:
0x68: {  	s0 =	sadd.s32 $0x300, s31;
	[sflag:s29] =	ssyncadd.s32 $0xFFFFE000;
	(pc) =	sbr.rel @p0 .LBB2_2-.Ltmp0, $4  }
0x69: {  	[tilespmem:s19], [sflag:$0x3] =	stream.indirect.gather [spmem:s3], $0x40, s0, s15, $0xb8;
	[tilespmem:$0x1E800] =	vst v63  }
0x6a: {  	_ =	swait.ge [sflag:s30], $0x2000  }
0x6b: {  	[sflag:s30] =	ssyncset.done $0x0  }
0x6c: {  	s31 =	sadd.s32 $0x380, s31;
	[sflag:s30] =	ssyncadd.s32 $0xFFFFE000  }
0x6d: {  	[tilespmem:s21], [sflag:$0x4] =	stream.indirect.gather [spmem:s3], $0x40, s31, s15, $0xb8;
	[tilespmem:$0x1E800] =	vst v63  }
0x6e: {  	_ =	swait.ge [sflag:s22], $0x2000  }
0x6f: {  	[sflag:s22] =	ssyncset.done $0x0  }
0x70: {  	s0 =	simm.s32 $0x2600;
	[sflag:s22] =	ssyncadd.s32 $0xFFFFE000  }
0x71: {  	[spmem:s2] =	stream.indirect.scatter.add.f32 [tilespmem:s16], [sflag:$0x5], $0x40, s0, s15, $0xb8;
	[tilespmem:$0x1E800] =	vst v63  }
0x72: {  	_ =	swait.ge [sflag:s23], $0x2000  }
0x73: {  	[sflag:s23] =	ssyncset.done $0x0  }
0x74: {  	s31 =	simm.s32 $0x2680;
	[sflag:s23] =	ssyncadd.s32 $0xFFFFE000  }
0x75: {  	[spmem:s2] =	stream.indirect.scatter.add.f32 [tilespmem:s17], [sflag:$0x6], $0x40, s31, s15, $0xb8;
	[tilespmem:$0x1E800] =	vst v63  }
0x76: {  	_ =	swait.ge [sflag:s24], $0x2000  }
0x77: {  	[sflag:s24] =	ssyncset.done $0x0  }
0x78: {  	[sflag:s24] =	ssyncadd.s32 $0xFFFFE000  }
0x79: {  	[spmem:s2] =	stream.indirect.scatter.add.f32 [tilespmem:s19], [sflag:$0x7], $0x40, s1, s15, $0xb8;
	[tilespmem:$0x1E800] =	vst v63  }
0x7a: {  	_ =	swait.ge [sflag:s25], $0x2000  }
0x7b: {  	[sflag:s25] =	ssyncset.done $0x0  }
0x7c: {  	[sflag:s25] =	ssyncadd.s32 $0xFFFFE000  }
0x7d: {  	[spmem:s2] =	stream.indirect.scatter.add.f32 [tilespmem:s21], [sflag:$0x8], $0x40, s11, s15, $0xb8;
	[tilespmem:$0x1E800] =	vst v63  }
0x7e: {  	_ =	swait.ge [sflag:s26], $0x2000  }
0x7f: {  	[sflag:s26] =	ssyncset.done $0x0  }
0x80: {  	[sflag:s26] =	ssyncadd.s32 $0xFFFFE000  }
0x81: {  	_ =	swait.ge [sflag:s28], $0x2000  }
0x82: {  	[sflag:s28] =	ssyncset.done $0x0  }
0x83: {  	[sflag:s28] =	ssyncadd.s32 $0xFFFFE000  }
0x84: {  	_ =	swait.ge [sflag:s29], $0x2000  }
0x85: {  	[sflag:s29] =	ssyncset.done $0x0  }
0x86: {  	[sflag:s29] =	ssyncadd.s32 $0xFFFFE000  }
0x87: {  	_ =	swait.ge [sflag:s30], $0x2000  }
0x88: {  	s18 =	sadd.s32 $0x1, s18;
	[sflag:s30] =	ssyncset.done $0x0  }
0x89: {  	p0 =	sne.s32 s18, s9;
	[sflag:s30] =	ssyncadd.s32 $0xFFFFE000  }
.Ltmp1:
0x8a: {  	[bflag:$0x0] =	sbarrier.arrive $0xFFFF;
	(pc) =	sbr.rel @p0 .LBB2_1-.Ltmp1, $4  }
0x8b: {  	[hbm:s8], [sflag:s12] =	dma.local [spmem:s13], $0x1400  }
0x8c: {  	_ =	swait.ge [sflag:s10], $0x1400  }
0x8d: {  	[sflag:s10] =	ssyncset.done $0x0  }
0x8e: {  	[sflag:s10] =	ssyncadd.s32 $0xFFFFEC00  }
0x8f: {  	_ =	sfence.sel $0x180000  }
0x90: {  	[bflag:$0x0] =	sbarrier.arrive $0xFFFF  }
0x91: {  	_ =	strace $0x9000004A  }
0x92: {  	s0 =	stileid.u32;
	[bflag:$0x2] =	sbarrier.arrive $0xFFFF  }
0x93: {  	p0 =	sne.s32 s0, $0x0;
	s0 =	rddreg [dreg:$0x4]  }
0x94: {  	s0 =	sadd.s32 @!p0 $0x100000, s0  }
0x95: {  	[sflag:s0] =	ssyncadd.tile.s32 @!p0 $0x1;
	_ =	shalt  }
.Lfunc_end2:
_tile_overlayer_lowered:
.L_overlay_start_2:
0x96: {  	(tag) =	ssettag $0x2  }
0x97: {  	s0 =	rddreg [dreg:$0x0];
	s2 =	stileid.u32  }
0x98: {  	s1 =	rddreg [dreg:$0x1];
	p0 =	sne.s32 s2, $0x0  }
0x99: {  	s3 =	rddreg [dreg:$0x2];
	[bflag:$0x3] =	sbarrier.arrive $0xFFFF;
	s2 =	simm.s32 @!p0 $0x1C09  }
0x9a: {  	[timem:s3], [sflag:s2] =	dma.local @!p0 [hbm:s0], s1  }
0x9b: {  	s0 =	simm.s32 @!p0 $0x9  }
0x9c: {  	_ =	swait.ge @!p0 [sflag:s0], s1  }
0x9d: {  	s1 =	ssub.s32 @!p0 $0x0, s1;
	[sflag:s0] =	ssyncset.done @!p0 $0x0  }
0x9e: {  	[sflag:s0] =	ssyncadd.s32 @!p0 s1  }
0x9f: {  	[bflag:$0x3] =	sbarrier.arrive $0xFFFF  }
0xa0: {  	_ =	shalt  }

// kernel: kernel.15.cloned.1.call-start
scs
__scs_entry_jumppad:
0x0: {  	(pc) =	sbr.rel $0x88, $3  }
0x1: {  	(tag) =	ssettag $0x0;
	lr =	simm.s32 $0x1  }
0x2: {  	[smem:$0x3F97] =	sst lr;
	_ =	strace $0xD0000000  }
0x3: {  	_ = 	snop  }
0x4: {  	_ = 	snop  }
0x5: {  	_ = 	snop  }
0x6: {  	_ = 	snop  }
0x7: {  	_ = 	snop  }
__scs_overlays_trampoline_lowered:
0x8: {  	[smem:$0x3FA6] =	sst s0  }
0x9: {  	[smem:$0x3FA7] =	sst s1  }
0xa: {  	[smem:$0x3FA8] =	sst s2  }
0xb: {  	[smem:$0x3FA9] =	sst s3  }
0xc: {  	[smem:$0x3FAA] =	sst s4  }
0xd: {  	[smem:$0x3FAB] =	sst s5  }
0xe: {  	[smem:$0x3FAC] =	sst s6  }
0xf: {  	[smem:$0x3FAD] =	sst s7  }
0x10: {  	[smem:$0x3FAE] =	sst s8  }
0x11: {  	[smem:$0x3FAF] =	sst s9;
	s0 =	simm.s32 @!p0 $0x0  }
0x12: {  	s1 =	sld [smem:$0x3F95];
	s0 =	simm.s32 @p0 $0x1  }
0x13: {  	[smem:$0x3FB0] =	sst s0;
	s0 =	simm.s32 @!p1 $0x0  }
0x14: {  	s2 =	sld [smem:$0x3F94];
	s0 =	simm.s32 @p1 $0x1  }
0x15: {  	[smem:$0x3FB1] =	sst s0;
	s0 =	simm.s32 @!p2 $0x0  }
0x16: {  	s3 =	sld [smem:$0x3FDB];
	s0 =	simm.s32 @p2 $0x1  }
0x17: {  	s4 =	simm.s32 $0x1BF5;
	[smem:$0x3FB3] =	sst s0  }
0x18: {  	s0 =	sld [smem:$0x3F96];
	_ =	swait.ge [sflag:s4], $0x0  }
0x19: {  	s7 =	sld [smem:$0x3F97]  }
0x1a: {  	s8 =	sadd.s32 $0xFFFFE003, lr  }
0x1b: {  	s9 =	sadd.s32 $0xFFFFFEF7, lr;
	s5 =	simm.s32 $0xFFFFFFFF;
	p2 =	slt.u32 s8, $0xFFFFF086  }
0x1c: {  	p1 =	slt.u32 s9, $0xF7A;
	s5 =	simm.s32 @!p2 $0x0  }
0x1d: {  	s5 =	simm.s32 @p1 $0x1;
	p0 =	seq.s32 s7, s2  }
0x1e: {  	s7 =	smul.u32 @!p0 $0xF7A, s2;
	p2 =	seq.s32 @!p0 s5, $0x0  }
0x1f: {  	s9 =	smul.u32 $0xF7A, s1;
	s8 =	simm.s32 @!p0 $0x1BF5;
	p2 =	por !p2, p0  }
0x20: {  	[sflag:s8] =	ssyncset.s32 @!p0 $0xFFFFF086;
	s6 =	sadd.s32 @!p0 s3, s7;
	s7 =	simm.s32 @!p0 $0x108  }
0x21: {  	s3 =	sadd.s32 s3, s9;
	s6 =	sadd.s32 @!p0 $0x88, s6;
	s7 =	simm.s32 @p2 $0x1082  }
0x22: {  	[simem:s7], [sflag:s8] =	dma.local @!p0 [hbm:s6], $0xF7A  }
0x23: {  	s9 =	sor.u32 $0xD0000000, s2;
	s6 =	simm.s32 $0x108;
	_ =	swait.ge @!p0 [sflag:s8], $0x0  }
0x24: {  	s3 =	sadd.s32 $0x88, s3;
	s6 =	simm.s32 @!p1 $0x1082;
	[sflag:s4] =	ssyncset.s32 $0xFFFFF086  }
0x25: {  	[simem:s6], [sflag:s4] =	dma.local [hbm:s3], $0xF7A  }
0x26: {  	[smem:$0x3F97] =	sst s1;
	(tag) =	ssettag s2;
	_ =	strace s9  }
0x27: {  	s1 =	sld [smem:$0x3FA7]  }
0x28: {  	s2 =	sld [smem:$0x3FA8]  }
0x29: {  	s4 =	sld [smem:$0x3FAA]  }
0x2a: {  	p0 =	seq.s32 s5, $0x0;
	s5 =	sld [smem:$0x3FAB]  }
0x2b: {  	s6 =	sld [smem:$0x3FAC]  }
0x2c: {  	s7 =	sld [smem:$0x3FAD]  }
0x2d: {  	s3 =	simm.s32 $0x108;
	s8 =	sld [smem:$0x3FAE]  }
0x2e: {  	s3 =	simm.s32 @!p0 $0x1082;
	s9 =	sld [smem:$0x3FAF]  }
0x2f: {  	lr =	sadd.s32 s0, s3;
	s0 =	sld [smem:$0x3FA6]  }
0x30: {  	s3 =	sld [smem:$0x3FA9]  }
0x31: {  	[smem:$0x3FB2] =	sst s10  }
0x32: {  	s10 =	sld [smem:$0x3FB0];
	_ =	sdelay $0x3  }
0x33: {  	p0 =	seq.s32 s10, $0x1;
	s10 =	sld [smem:$0x3FB2];
	_ =	sdelay $0x3  }
0x34: {  	[smem:$0x3FB2] =	sst s10  }
0x35: {  	s10 =	sld [smem:$0x3FB1];
	_ =	sdelay $0x3  }
0x36: {  	p1 =	seq.s32 s10, $0x1;
	s10 =	sld [smem:$0x3FB2];
	_ =	sdelay $0x3  }
0x37: {  	[smem:$0x3FB2] =	sst s10  }
0x38: {  	s10 =	sld [smem:$0x3FB3]  }
0x39: {  	_ = 	snop;
	(pc) =	sbr.ind lr, $3  }
0x3a: {  	_ = 	snop  }
0x3b: {  	_ = 	snop  }
0x3c: {  	p2 =	seq.s32 s10, $0x1;
	s10 =	sld [smem:$0x3FB2]  }
0x3d: {  	_ =	shalt  }
0x3e: {  	_ =	shalt  }
0x3f: {  	_ =	shalt  }
0x40: {  	_ =	shalt  }
0x41: {  	_ =	shalt  }
0x42: {  	_ =	shalt  }
0x43: {  	_ =	shalt  }
0x44: {  	_ =	shalt  }
0x45: {  	_ =	shalt  }
0x46: {  	_ =	shalt  }
0x47: {  	_ =	shalt  }
0x48: {  	_ =	shalt  }
0x49: {  	_ =	shalt  }
0x4a: {  	_ =	shalt  }
0x4b: {  	_ =	shalt  }
0x4c: {  	_ =	shalt  }
0x4d: {  	_ =	shalt  }
0x4e: {  	_ =	shalt  }
0x4f: {  	_ =	shalt  }
0x50: {  	_ =	shalt  }
0x51: {  	_ =	shalt  }
0x52: {  	_ =	shalt  }
0x53: {  	_ =	shalt  }
0x54: {  	_ =	shalt  }
0x55: {  	_ =	shalt  }
0x56: {  	_ =	shalt  }
0x57: {  	_ =	shalt  }
0x58: {  	_ =	shalt  }
0x59: {  	_ =	shalt  }
0x5a: {  	_ =	shalt  }
0x5b: {  	_ =	shalt  }
0x5c: {  	_ =	shalt  }
0x5d: {  	_ =	shalt  }
0x5e: {  	_ =	shalt  }
0x5f: {  	_ =	shalt  }
0x60: {  	_ =	shalt  }
0x61: {  	_ =	shalt  }
0x62: {  	_ =	shalt  }
0x63: {  	_ =	shalt  }
0x64: {  	_ =	shalt  }
0x65: {  	_ =	shalt  }
0x66: {  	_ =	shalt  }
0x67: {  	_ =	shalt  }
0x68: {  	_ =	shalt  }
0x69: {  	_ =	shalt  }
0x6a: {  	_ =	shalt  }
0x6b: {  	_ =	shalt  }
0x6c: {  	_ =	shalt  }
0x6d: {  	_ =	shalt  }
0x6e: {  	_ =	shalt  }
0x6f: {  	_ =	shalt  }
0x70: {  	_ =	shalt  }
0x71: {  	_ =	shalt  }
0x72: {  	_ =	shalt  }
0x73: {  	_ =	shalt  }
0x74: {  	_ =	shalt  }
0x75: {  	_ =	shalt  }
0x76: {  	_ =	shalt  }
0x77: {  	_ =	shalt  }
0x78: {  	_ =	shalt  }
0x79: {  	_ =	shalt  }
0x7a: {  	_ =	shalt  }
0x7b: {  	_ =	shalt  }
0x7c: {  	_ =	shalt  }
0x7d: {  	_ =	shalt  }
0x7e: {  	_ =	shalt  }
0x7f: {  	_ =	shalt  }
0x80: {  	_ =	shalt  }
0x81: {  	_ =	shalt  }
0x82: {  	_ =	shalt  }
0x83: {  	_ =	shalt  }
0x84: {  	_ =	shalt  }
0x85: {  	_ =	shalt  }
0x86: {  	_ =	shalt  }
0x87: {  	_ =	shalt  }
.Lfunc_end0:
.L_simem_size_0:
called_computation.2_lowered:
.L_overlay_start_0:
0x88: {  	s2 =	sld [smem:$0x3FD9]  }
0x89: {  	s3 =	sld [smem:$0x3FFE];
	_ =	sdelay $0x1  }
0x8a: {  	s1 =	srdreg.scid  }
0x8b: {  	s0 =	sand.u32 $0x1, s1  }
0x8c: {  	s14 =	sshll.u32 s0, $0xA;
	s2 =	sadd.s32 s3, s2  }
0x8d: {  	s2 =	sadd.s32 s2, s14  }
0x8e: {  	[smem:$0x3FBE] =	sst s2  }
0x8f: {  	_ = 	snop  }
0x90: {  	s2 =	sld [smem:$0x3FD0];
	_ =	sdelay $0x2  }
0x91: {  	s15 =	simm.s32 $0xA;
	s4 =	simm.s32 $0x10  }
0x92: {  	[smem:s4], [sflag:s15] =	dma.local [hbm:s2], $0x1  }
0x93: {  	_ =	swait.eq [sflag:s15], $0x1  }
0x94: {  	[sflag:s15] =	ssyncset.done $0x0  }
0x95: {  	[sflag:s15] =	ssyncadd.s32 $0xFFFFFFFF  }
0x96: {  	s16 =	sld [smem:$0x10];
	(tm) =	ssettm $0x1  }
0x97: {  	s17 =	sld [smem:$0x3FFB];
	_ =	sdelay $0x3  }
0x98: {  	_ =	strace s17  }
0x99: {  	s3 =	sld [smem:$0x3FFC];
	_ =	sdelay $0x3  }
0x9a: {  	_ =	strace s3  }
0x9b: {  	s3 =	sld [smem:$0x3FFD];
	_ =	sdelay $0x3  }
0x9c: {  	_ =	strace s3  }
0x9d: {  	_ =	strace $0x8FFFFFFF  }
0x9e: {  	s18 =	sld [smem:$0x3FDB];
	_ =	sdelay $0x1  }
0x9f: {  	s19 =	simm.s32 $_scs_section_size  }
0xa0: {  	s5 =	simm.s32 $_size__tile_overlayer_lowered;
	s6 =	simm.s32 $_tile_overlayer_lowered  }
0xa1: {  	s22 =	simm.s32 $0x1BFF;
	s21 =	sshll.u32 s6, $0x1;
	s3 =	sadd.s32 s19, s18  }
0xa2: {  	s7 =	simm.s32 $0x0;
	s20 =	sshll.u32 s5, $0x1;
	s5 =	sadd.s32 s21, s3  }
0xa3: {  	[timem:s7], [sflag:s22] =	dma.local [hbm:s5], s20  }
0xa4: {  	_ =	swait.ge [sflag:s22], s20  }
0xa5: {  	s4 =	ssub.s32 $0x0, s20;
	[sflag:s22] =	ssyncset.done $0x0  }
0xa6: {  	[sflag:s22] =	ssyncadd.s32 s4;
	_ =	sdelay $0x1  }
0xa7: {  	s23 =	simm.s32 $0x1B8B  }
0xa8: {  	_ =	swait.ge [sflag:s23], $0x1  }
0xa9: {  	[sflag:s23] =	ssyncset.done $0x0  }
0xaa: {  	s25 =	simm.s32 $0x1B8E;
	s24 =	sld [smem:$0x3FFE];
	[sflag:s23] =	ssyncadd.s32 $0xFFFFFFFF  }
0xab: {  	s26 =	simm.s32 $execute0_lowered;
	[smem:$0x3FD2] =	sst s25  }
0xac: {  	s5 =	sshll.u32 s26, $0x1;
	_ =	strace $0x8000004C;
	[dreg:$0x1] =	wrdreg $0xFFFFFFFF  }
0xad: {  	s28 =	simm.s32 $_size_execute0_lowered;
	s3 =	sadd.s32 s3, s5;
	[dreg:$0x0] =	wrdreg $0x0  }
0xae: {  	s5 =	sshll.u32 s28, $0x1;
	[dreg:$0x2] =	wrdreg s3  }
0xaf: {  	[dreg:$0x3] =	wrdreg s5  }
0xb0: {  	[dreg:$0x4] =	wrdreg $0xC0  }
0xb1: {  	_ =	task [dreg:s7], $0x5FFFF  }
0xb2: {  	[dreg:$0x1] =	wrdreg $0xFFFFFFFF  }
0xb3: {  	[dreg:$0x0] =	wrdreg $0x60  }
0xb4: {  	[dreg:$0x2] =	wrdreg s16  }
0xb5: {  	[dreg:$0x3] =	wrdreg s24  }
0xb6: {  	[dreg:$0x4] =	wrdreg $0xA8000  }
0xb7: {  	[dreg:$0x5] =	wrdreg $0x148000  }
0xb8: {  	[dreg:$0x6] =	wrdreg $0x9  }
0xb9: {  	_ =	task.clear_ibuf [dreg:s7], $0x7FFFF;
	_ =	strace $0x9000004C  }
0xba: {  	s29 =	simm.s32 $0x9;
	_ =	strace $0x8000004E  }
0xbb: {  	_ =	swait.ge [sflag:s29], $0x1  }
0xbc: {  	[sflag:s29] =	ssyncadd.s32 $0xFFFFFFFF  }
0xbd: {  	_ =	strace $0x9000004E  }
0xbe: {  	_ =	sfence  }
0xbf: {  	s30 =	sld [smem:$0x0];
	_ =	sdelay $0x2  }
0xc0: {  	s31 =	sshll.u32 s1, $0xD;
	s1 =	sshrl.u32 s1, $0x2  }
0xc1: {  	s3 =	sand.u32 $0x4000, s31;
	s1 =	sadd.s32 s1, s30  }
0xc2: {  	s0 =	sor.u32 s3, s0;
	s1 =	sshll.u32 s1, $0x11  }
0xc3: {  	s0 =	sor.u32 s1, s0  }
0xc4: {  	s0 =	sadd.s32 $0x8F2B, s0  }
0xc5: {  	[sflag:s0] =	ssyncadd.remote.s32 $0x1  }
0xc6: {  	_ =	sfence.sel $0xFFFF  }
0xc7: {  	[dreg:$0x0] =	wrdreg $0xFFFFFFFF;
	(pc) =	sbr.abs _section_cstart, $3  }
0xc8: {  	[dreg:$0x1] =	wrdreg $0xFFFFFFFF  }
0xc9: {  	_ =	task.clear_ibuf [dreg:s7], $0x2FFFF;
	_ =	strace $0x9FFFFFFF  }
0xca: {  	(tm) =	ssettm $0x7FFFFFFF  }
0xcb: {  	_ =	shalt  }
tec
execute0_lowered:
.L_overlay_start_1:
0x0: {  	(tag) =	ssettag $0x1  }
0x1: {  	s0 =	rddreg [dreg:$0x0]  }
0x2: {  	s1 =	rddreg [dreg:$0x1]  }
0x3: {  	s2 =	rddreg [dreg:$0x2]  }
0x4: {  	s3 =	rddreg [dreg:$0x3]  }
0x5: {  	s4 =	srdreg.scid;
	s12 =	stileid.u32  }
0x6: {  	s10 =	simm.s32 $0x9;
	s15 =	simm.s32 $0x80;
	s16 =	simm.s32 $0x2800  }
0x7: {  	s17 =	simm.s32 $0x4800;
	s19 =	simm.s32 $0x6800;
	s21 =	simm.s32 $0x8800  }
0x8: {  	s22 =	simm.s32 $0x1;
	s23 =	simm.s32 $0x2;
	s24 =	simm.s32 $0x3  }
0x9: {  	s28 =	simm.s32 $0x6;
	s29 =	simm.s32 $0x7;
	s30 =	simm.s32 $0x8  }
0xa: {  	s18 =	simm.s32 $0x0;
	s5 =	sand.u32 $0x1, s4;
	s6 =	sshll.u32 s12, $0x1  }
0xb: {  	s8 =	smul.u32 $0xA000, s12;
	s4 =	simm.s32 $0x0;
	s31 =	sshll.u32 s12, $0x6  }
0xc: {  	s6 =	sor.u32 s5, s6;
	s7 =	smul.u32 $0xA0000, s5;
	[smem:$0x7FF] =	sst s4  }
0xd: {  	s5 =	ssub.s32 $0x2, s5;
	s12 =	sor.u32 $0x1C09, s31;
	s6 =	smul.u32 $0x280, s6  }
0xe: {  	_ =	strace $0x8000004D;
	s9 =	sshrl.u32 s5, $0x1;
	s11 =	sadd.s32 s8, s2  }
0xf: {  	s25 =	sshrl.u32 s8, $0x3;
	s26 =	sadd.s32 s8, s3;
	s7 =	sadd.s32 s8, s7  }
0x10: {  	s9 =	ssub.s32 s5, s9;
	s13 =	sshrl.u32 s11, $0x3;
	s14 =	sshrl.u32 s26, $0x3  }
0x11: {  	s26 =	simm.s32 $0x5;
	s11 =	simm.s32 $0x2780;
	s7 =	sshrl.u32 s7, $0x3  }
0x12: {  	s6 =	sadd.s32 s6, s1;
	s9 =	smax.u32 s9, $0x1;
	s1 =	sadd.s32 s7, s1  }
0x13: {  	s5 =	sadd.s32 $0x12000, s6;
	s6 =	sadd.s32 $0x3000, s6;
	s7 =	sadd.s32 s0, s25  }
0x14: {  	s25 =	simm.s32 $0x4;
	s8 =	sadd.s32 $0x66200, s1;
	s1 =	simm.s32 $0x2700  }
.LBB2_1:
0x15: {  	[tilespmem:s4], [sflag:$0x9] =	stream.linear.gather [hbm4b:s5+s4], $0x1400, $0x38;
	[tilespmem:$0x1E800] =	vst v63  }
0x16: {  	_ =	swait.ge [sflag:s10], $0x1400  }
0x17: {  	[sflag:s10] =	ssyncset.done $0x0  }
0x18: {  	s0 =	simm.s32 $0x1400;
	[sflag:s10] =	ssyncadd.s32 $0xFFFFEC00  }
0x19: {  	[tilespmem:s0], [sflag:$0x9] =	stream.linear.gather [hbm4b:s6+s4], $0x1400, $0x38;
	[tilespmem:$0x1E800] =	vst v63  }
0x1a: {  	_ =	swait.ge [sflag:s10], $0x1400  }
0x1b: {  	[sflag:s10] =	ssyncset.done $0x0  }
0x1c: {  	[sflag:s10] =	ssyncadd.s32 $0xFFFFEC00  }
0x1d: {  	[spmem:s13], [sflag:s12] =	dma.local [hbm:s7], $0x1400  }
0x1e: {  	_ =	swait.ge [sflag:s10], $0x1400  }
0x1f: {  	[sflag:s10] =	ssyncset.done $0x0  }
0x20: {  	[sflag:s10] =	ssyncadd.s32 $0xFFFFEC00  }
0x21: {  	[spmem:s14], [sflag:s12] =	dma.local [hbm:s7], $0x1400  }
0x22: {  	_ =	swait.ge [sflag:s10], $0x1400  }
0x23: {  	[sflag:s10] =	ssyncset.done $0x0  }
0x24: {  	[sflag:s10] =	ssyncadd.s32 $0xFFFFEC00  }
0x25: {  	[bflag:$0x0] =	sbarrier.arrive $0xFFFF  }
0x26: {  	[tilespmem:s16], [sflag:$0x1] =	stream.indirect.gather [spmem:s3], $0x40, s4, s15, $0xb8;
	[tilespmem:$0x1E800] =	vst v63  }
0x27: {  	_ = 	snop  }
0x28: {  	[tilespmem:s17], [sflag:$0x2] =	stream.indirect.gather [spmem:s3], $0x40, s15, s15, $0xb8;
	[tilespmem:$0x1E800] =	vst v63  }
0x29: {  	s20 =	simm.s32 $0x100  }
0x2a: {  	[tilespmem:s19], [sflag:$0x3] =	stream.indirect.gather [spmem:s3], $0x40, s20, s15, $0xb8;
	[tilespmem:$0x1E800] =	vst v63  }
0x2b: {  	s20 =	simm.s32 $0x180  }
0x2c: {  	[tilespmem:s21], [sflag:$0x4] =	stream.indirect.gather [spmem:s3], $0x40, s20, s15, $0xb8;
	[tilespmem:$0x1E800] =	vst v63  }
0x2d: {  	_ =	swait.ge [sflag:s22], $0x2000  }
0x2e: {  	[sflag:s22] =	ssyncset.done $0x0  }
0x2f: {  	s20 =	simm.s32 $0x1400;
	[sflag:s22] =	ssyncadd.s32 $0xFFFFE000  }
0x30: {  	[spmem:s2] =	stream.indirect.scatter.add.f32 [tilespmem:s16], [sflag:$0x5], $0x40, s20, s15, $0xb8;
	[tilespmem:$0x1E800] =	vst v63  }
0x31: {  	_ =	swait.ge [sflag:s23], $0x2000  }
0x32: {  	[sflag:s23] =	ssyncset.done $0x0  }
0x33: {  	s0 =	simm.s32 $0x1480;
	[sflag:s23] =	ssyncadd.s32 $0xFFFFE000  }
0x34: {  	[spmem:s2] =	stream.indirect.scatter.add.f32 [tilespmem:s17], [sflag:$0x6], $0x40, s0, s15, $0xb8;
	[tilespmem:$0x1E800] =	vst v63  }
0x35: {  	_ =	swait.ge [sflag:s24], $0x2000  }
0x36: {  	[sflag:s24] =	ssyncset.done $0x0  }
0x37: {  	s0 =	simm.s32 $0x1500;
	[sflag:s24] =	ssyncadd.s32 $0xFFFFE000  }
0x38: {  	[spmem:s2] =	stream.indirect.scatter.add.f32 [tilespmem:s19], [sflag:$0x7], $0x40, s0, s15, $0xb8;
	[tilespmem:$0x1E800] =	vst v63  }
0x39: {  	_ =	swait.ge [sflag:s25], $0x2000  }
0x3a: {  	[sflag:s25] =	ssyncset.done $0x0  }
0x3b: {  	s0 =	simm.s32 $0x1580;
	[sflag:s25] =	ssyncadd.s32 $0xFFFFE000  }
0x3c: {  	[spmem:s2] =	stream.indirect.scatter.add.f32 [tilespmem:s21], [sflag:$0x8], $0x40, s0, s15, $0xb8;
	[tilespmem:$0x1E800] =	vst v63  }
0x3d: {  	_ =	swait.ge [sflag:s26], $0x2000  }
0x3e: {  	[sflag:s26] =	ssyncset.done $0x0  }
0x3f: {  	s0 =	simm.s32 $0x200;
	[sflag:s26] =	ssyncadd.s32 $0xFFFFE000  }
0x40: {  	[tilespmem:s16], [sflag:$0x1] =	stream.indirect.gather [spmem:s3], $0x40, s0, s15, $0xb8;
	[tilespmem:$0x1E800] =	vst v63  }
0x41: {  	_ =	swait.ge [sflag:s28], $0x2000  }
0x42: {  	[sflag:s28] =	ssyncset.done $0x0  }
0x43: {  	s0 =	simm.s32 $0x280;
	[sflag:s28] =	ssyncadd.s32 $0xFFFFE000  }
0x44: {  	[tilespmem:s17], [sflag:$0x2] =	stream.indirect.gather [spmem:s3], $0x40, s0, s15, $0xb8;
	[tilespmem:$0x1E800] =	vst v63  }
0x45: {  	_ =	swait.ge [sflag:s29], $0x2000  }
0x46: {  	[sflag:s29] =	ssyncset.done $0x0  }
0x47: {  	s0 =	simm.s32 $0x300;
	[sflag:s29] =	ssyncadd.s32 $0xFFFFE000  }
0x48: {  	[tilespmem:s19], [sflag:$0x3] =	stream.indirect.gather [spmem:s3], $0x40, s0, s15, $0xb8;
	[tilespmem:$0x1E800] =	vst v63  }
0x49: {  	_ =	swait.ge [sflag:s30], $0x2000  }
0x4a: {  	[sflag:s30] =	ssyncset.done $0x0  }
0x4b: {  	s31 =	simm.s32 $0x380;
	s20 =	simm.s32 $0x800;
	[sflag:s30] =	ssyncadd.s32 $0xFFFFE000  }
.LBB2_2:
0x4c: {  	[tilespmem:s21], [sflag:$0x4] =	stream.indirect.gather [spmem:s3], $0x40, s31, s15, $0xb8;
	[tilespmem:$0x1E800] =	vst v63  }
0x4d: {  	s31 =	smov.u32 s20  }
0x4e: {  	p0 =	sne.s32 s20, $0x4000;
	s20 =	sadd.s32 $0x800, s20;
	_ =	swait.ge [sflag:s22], $0x2000  }
0x4f: {  	s31 =	sshra.s32 s31, $0x2;
	[sflag:s22] =	ssyncset.done $0x0  }
0x50: {  	s0 =	sadd.s32 $0x1400, s31;
	[sflag:s22] =	ssyncadd.s32 $0xFFFFE000  }
0x51: {  	[spmem:s2] =	stream.indirect.scatter.add.f32 [tilespmem:s16], [sflag:$0x5], $0x40, s0, s15, $0xb8;
	[tilespmem:$0x1E800] =	vst v63  }
0x52: {  	_ =	swait.ge [sflag:s23], $0x2000  }
0x53: {  	[sflag:s23] =	ssyncset.done $0x0  }
0x54: {  	s0 =	sadd.s32 $0x1480, s31;
	[sflag:s23] =	ssyncadd.s32 $0xFFFFE000  }
0x55: {  	[spmem:s2] =	stream.indirect.scatter.add.f32 [tilespmem:s17], [sflag:$0x6], $0x40, s0, s15, $0xb8;
	[tilespmem:$0x1E800] =	vst v63  }
0x56: {  	_ =	swait.ge [sflag:s24], $0x2000  }
0x57: {  	[sflag:s24] =	ssyncset.done $0x0  }
0x58: {  	s0 =	sadd.s32 $0x1500, s31;
	[sflag:s24] =	ssyncadd.s32 $0xFFFFE000  }
0x59: {  	[spmem:s2] =	stream.indirect.scatter.add.f32 [tilespmem:s19], [sflag:$0x7], $0x40, s0, s15, $0xb8;
	[tilespmem:$0x1E800] =	vst v63  }
0x5a: {  	_ =	swait.ge [sflag:s25], $0x2000  }
0x5b: {  	[sflag:s25] =	ssyncset.done $0x0  }
0x5c: {  	s0 =	sadd.s32 $0x1580, s31;
	[sflag:s25] =	ssyncadd.s32 $0xFFFFE000  }
0x5d: {  	[spmem:s2] =	stream.indirect.scatter.add.f32 [tilespmem:s21], [sflag:$0x8], $0x40, s0, s15, $0xb8;
	[tilespmem:$0x1E800] =	vst v63  }
0x5e: {  	_ =	swait.ge [sflag:s26], $0x2000  }
0x5f: {  	[sflag:s26] =	ssyncset.done $0x0  }
0x60: {  	s0 =	sadd.s32 $0x200, s31;
	[sflag:s26] =	ssyncadd.s32 $0xFFFFE000  }
0x61: {  	[tilespmem:s16], [sflag:$0x1] =	stream.indirect.gather [spmem:s3], $0x40, s0, s15, $0xb8;
	[tilespmem:$0x1E800] =	vst v63  }
0x62: {  	_ =	swait.ge [sflag:s28], $0x2000  }
0x63: {  	[sflag:s28] =	ssyncset.done $0x0  }
0x64: {  	s0 =	sadd.s32 $0x280, s31;
	[sflag:s28] =	ssyncadd.s32 $0xFFFFE000  }
0x65: {  	[tilespmem:s17], [sflag:$0x2] =	stream.indirect.gather [spmem:s3], $0x40, s0, s15, $0xb8;
	[tilespmem:$0x1E800] =	vst v63  }
0x66: {  	_ =	swait.ge [sflag:s29], $0x2000  }
0x67: {  	[sflag:s29] =	ssyncset.done $0x0  }
.Ltmp0:
0x68: {  	s0 =	sadd.s32 $0x300, s31;
	[sflag:s29] =	ssyncadd.s32 $0xFFFFE000;
	(pc) =	sbr.rel @p0 .LBB2_2-.Ltmp0, $4  }
0x69: {  	[tilespmem:s19], [sflag:$0x3] =	stream.indirect.gather [spmem:s3], $0x40, s0, s15, $0xb8;
	[tilespmem:$0x1E800] =	vst v63  }
0x6a: {  	_ =	swait.ge [sflag:s30], $0x2000  }
0x6b: {  	[sflag:s30] =	ssyncset.done $0x0  }
0x6c: {  	s31 =	sadd.s32 $0x380, s31;
	[sflag:s30] =	ssyncadd.s32 $0xFFFFE000  }
0x6d: {  	[tilespmem:s21], [sflag:$0x4] =	stream.indirect.gather [spmem:s3], $0x40, s31, s15, $0xb8;
	[tilespmem:$0x1E800] =	vst v63  }
0x6e: {  	_ =	swait.ge [sflag:s22], $0x2000  }
0x6f: {  	[sflag:s22] =	ssyncset.done $0x0  }
0x70: {  	s0 =	simm.s32 $0x2600;
	[sflag:s22] =	ssyncadd.s32 $0xFFFFE000  }
0x71: {  	[spmem:s2] =	stream.indirect.scatter.add.f32 [tilespmem:s16], [sflag:$0x5], $0x40, s0, s15, $0xb8;
	[tilespmem:$0x1E800] =	vst v63  }
0x72: {  	_ =	swait.ge [sflag:s23], $0x2000  }
0x73: {  	[sflag:s23] =	ssyncset.done $0x0  }
0x74: {  	s31 =	simm.s32 $0x2680;
	[sflag:s23] =	ssyncadd.s32 $0xFFFFE000  }
0x75: {  	[spmem:s2] =	stream.indirect.scatter.add.f32 [tilespmem:s17], [sflag:$0x6], $0x40, s31, s15, $0xb8;
	[tilespmem:$0x1E800] =	vst v63  }
0x76: {  	_ =	swait.ge [sflag:s24], $0x2000  }
0x77: {  	[sflag:s24] =	ssyncset.done $0x0  }
0x78: {  	[sflag:s24] =	ssyncadd.s32 $0xFFFFE000  }
0x79: {  	[spmem:s2] =	stream.indirect.scatter.add.f32 [tilespmem:s19], [sflag:$0x7], $0x40, s1, s15, $0xb8;
	[tilespmem:$0x1E800] =	vst v63  }
0x7a: {  	_ =	swait.ge [sflag:s25], $0x2000  }
0x7b: {  	[sflag:s25] =	ssyncset.done $0x0  }
0x7c: {  	[sflag:s25] =	ssyncadd.s32 $0xFFFFE000  }
0x7d: {  	[spmem:s2] =	stream.indirect.scatter.add.f32 [tilespmem:s21], [sflag:$0x8], $0x40, s11, s15, $0xb8;
	[tilespmem:$0x1E800] =	vst v63  }
0x7e: {  	_ =	swait.ge [sflag:s26], $0x2000  }
0x7f: {  	[sflag:s26] =	ssyncset.done $0x0  }
0x80: {  	[sflag:s26] =	ssyncadd.s32 $0xFFFFE000  }
0x81: {  	_ =	swait.ge [sflag:s28], $0x2000  }
0x82: {  	[sflag:s28] =	ssyncset.done $0x0  }
0x83: {  	[sflag:s28] =	ssyncadd.s32 $0xFFFFE000  }
0x84: {  	_ =	swait.ge [sflag:s29], $0x2000  }
0x85: {  	[sflag:s29] =	ssyncset.done $0x0  }
0x86: {  	[sflag:s29] =	ssyncadd.s32 $0xFFFFE000  }
0x87: {  	_ =	swait.ge [sflag:s30], $0x2000  }
0x88: {  	s18 =	sadd.s32 $0x1, s18;
	[sflag:s30] =	ssyncset.done $0x0  }
0x89: {  	p0 =	sne.s32 s18, s9;
	[sflag:s30] =	ssyncadd.s32 $0xFFFFE000  }
.Ltmp1:
0x8a: {  	[bflag:$0x0] =	sbarrier.arrive $0xFFFF;
	(pc) =	sbr.rel @p0 .LBB2_1-.Ltmp1, $4  }
0x8b: {  	[hbm:s8], [sflag:s12] =	dma.local [spmem:s13], $0x1400  }
0x8c: {  	_ =	swait.ge [sflag:s10], $0x1400  }
0x8d: {  	[sflag:s10] =	ssyncset.done $0x0  }
0x8e: {  	[sflag:s10] =	ssyncadd.s32 $0xFFFFEC00  }
0x8f: {  	_ =	sfence.sel $0x180000  }
0x90: {  	[bflag:$0x0] =	sbarrier.arrive $0xFFFF  }
0x91: {  	_ =	strace $0x9000004D  }
0x92: {  	s0 =	stileid.u32;
	[bflag:$0x2] =	sbarrier.arrive $0xFFFF  }
0x93: {  	p0 =	sne.s32 s0, $0x0;
	s0 =	rddreg [dreg:$0x4]  }
0x94: {  	s0 =	sadd.s32 @!p0 $0x100000, s0  }
0x95: {  	[sflag:s0] =	ssyncadd.tile.s32 @!p0 $0x1;
	_ =	shalt  }
.Lfunc_end2:
_tile_overlayer_lowered:
.L_overlay_start_2:
0x96: {  	(tag) =	ssettag $0x2  }
0x97: {  	s0 =	rddreg [dreg:$0x0];
	s2 =	stileid.u32  }
0x98: {  	s1 =	rddreg [dreg:$0x1];
	p0 =	sne.s32 s2, $0x0  }
0x99: {  	s3 =	rddreg [dreg:$0x2];
	[bflag:$0x3] =	sbarrier.arrive $0xFFFF;
	s2 =	simm.s32 @!p0 $0x1C09  }
0x9a: {  	[timem:s3], [sflag:s2] =	dma.local @!p0 [hbm:s0], s1  }
0x9b: {  	s0 =	simm.s32 @!p0 $0x9  }
0x9c: {  	_ =	swait.ge @!p0 [sflag:s0], s1  }
0x9d: {  	s1 =	ssub.s32 @!p0 $0x0, s1;
	[sflag:s0] =	ssyncset.done @!p0 $0x0  }
0x9e: {  	[sflag:s0] =	ssyncadd.s32 @!p0 s1  }
0x9f: {  	[bflag:$0x3] =	sbarrier.arrive $0xFFFF  }
0xa0: {  	_ =	shalt  }

// kernel: kernel.9.cloned.1.call-start
scs
__scs_entry_jumppad:
0x0: {  	(pc) =	sbr.rel $0x88, $3  }
0x1: {  	(tag) =	ssettag $0x0;
	lr =	simm.s32 $0x1  }
0x2: {  	[smem:$0x3F97] =	sst lr;
	_ =	strace $0xD0000000  }
0x3: {  	_ = 	snop  }
0x4: {  	_ = 	snop  }
0x5: {  	_ = 	snop  }
0x6: {  	_ = 	snop  }
0x7: {  	_ = 	snop  }
__scs_overlays_trampoline_lowered:
0x8: {  	[smem:$0x3FA6] =	sst s0  }
0x9: {  	[smem:$0x3FA7] =	sst s1  }
0xa: {  	[smem:$0x3FA8] =	sst s2  }
0xb: {  	[smem:$0x3FA9] =	sst s3  }
0xc: {  	[smem:$0x3FAA] =	sst s4  }
0xd: {  	[smem:$0x3FAB] =	sst s5  }
0xe: {  	[smem:$0x3FAC] =	sst s6  }
0xf: {  	[smem:$0x3FAD] =	sst s7  }
0x10: {  	[smem:$0x3FAE] =	sst s8  }
0x11: {  	[smem:$0x3FAF] =	sst s9;
	s0 =	simm.s32 @!p0 $0x0  }
0x12: {  	s1 =	sld [smem:$0x3F95];
	s0 =	simm.s32 @p0 $0x1  }
0x13: {  	[smem:$0x3FB0] =	sst s0;
	s0 =	simm.s32 @!p1 $0x0  }
0x14: {  	s2 =	sld [smem:$0x3F94];
	s0 =	simm.s32 @p1 $0x1  }
0x15: {  	[smem:$0x3FB1] =	sst s0;
	s0 =	simm.s32 @!p2 $0x0  }
0x16: {  	s3 =	sld [smem:$0x3FDB];
	s0 =	simm.s32 @p2 $0x1  }
0x17: {  	s4 =	simm.s32 $0x1BF5;
	[smem:$0x3FB3] =	sst s0  }
0x18: {  	s0 =	sld [smem:$0x3F96];
	_ =	swait.ge [sflag:s4], $0x0  }
0x19: {  	s7 =	sld [smem:$0x3F97]  }
0x1a: {  	s8 =	sadd.s32 $0xFFFFE003, lr  }
0x1b: {  	s9 =	sadd.s32 $0xFFFFFEF7, lr;
	s5 =	simm.s32 $0xFFFFFFFF;
	p2 =	slt.u32 s8, $0xFFFFF086  }
0x1c: {  	p1 =	slt.u32 s9, $0xF7A;
	s5 =	simm.s32 @!p2 $0x0  }
0x1d: {  	s5 =	simm.s32 @p1 $0x1;
	p0 =	seq.s32 s7, s2  }
0x1e: {  	s7 =	smul.u32 @!p0 $0xF7A, s2;
	p2 =	seq.s32 @!p0 s5, $0x0  }
0x1f: {  	s9 =	smul.u32 $0xF7A, s1;
	s8 =	simm.s32 @!p0 $0x1BF5;
	p2 =	por !p2, p0  }
0x20: {  	[sflag:s8] =	ssyncset.s32 @!p0 $0xFFFFF086;
	s6 =	sadd.s32 @!p0 s3, s7;
	s7 =	simm.s32 @!p0 $0x108  }
0x21: {  	s3 =	sadd.s32 s3, s9;
	s6 =	sadd.s32 @!p0 $0x88, s6;
	s7 =	simm.s32 @p2 $0x1082  }
0x22: {  	[simem:s7], [sflag:s8] =	dma.local @!p0 [hbm:s6], $0xF7A  }
0x23: {  	s9 =	sor.u32 $0xD0000000, s2;
	s6 =	simm.s32 $0x108;
	_ =	swait.ge @!p0 [sflag:s8], $0x0  }
0x24: {  	s3 =	sadd.s32 $0x88, s3;
	s6 =	simm.s32 @!p1 $0x1082;
	[sflag:s4] =	ssyncset.s32 $0xFFFFF086  }
0x25: {  	[simem:s6], [sflag:s4] =	dma.local [hbm:s3], $0xF7A  }
0x26: {  	[smem:$0x3F97] =	sst s1;
	(tag) =	ssettag s2;
	_ =	strace s9  }
0x27: {  	s1 =	sld [smem:$0x3FA7]  }
0x28: {  	s2 =	sld [smem:$0x3FA8]  }
0x29: {  	s4 =	sld [smem:$0x3FAA]  }
0x2a: {  	p0 =	seq.s32 s5, $0x0;
	s5 =	sld [smem:$0x3FAB]  }
0x2b: {  	s6 =	sld [smem:$0x3FAC]  }
0x2c: {  	s7 =	sld [smem:$0x3FAD]  }
0x2d: {  	s3 =	simm.s32 $0x108;
	s8 =	sld [smem:$0x3FAE]  }
0x2e: {  	s3 =	simm.s32 @!p0 $0x1082;
	s9 =	sld [smem:$0x3FAF]  }
0x2f: {  	lr =	sadd.s32 s0, s3;
	s0 =	sld [smem:$0x3FA6]  }
0x30: {  	s3 =	sld [smem:$0x3FA9]  }
0x31: {  	[smem:$0x3FB2] =	sst s10  }
0x32: {  	s10 =	sld [smem:$0x3FB0];
	_ =	sdelay $0x3  }
0x33: {  	p0 =	seq.s32 s10, $0x1;
	s10 =	sld [smem:$0x3FB2];
	_ =	sdelay $0x3  }
0x34: {  	[smem:$0x3FB2] =	sst s10  }
0x35: {  	s10 =	sld [smem:$0x3FB1];
	_ =	sdelay $0x3  }
0x36: {  	p1 =	seq.s32 s10, $0x1;
	s10 =	sld [smem:$0x3FB2];
	_ =	sdelay $0x3  }
0x37: {  	[smem:$0x3FB2] =	sst s10  }
0x38: {  	s10 =	sld [smem:$0x3FB3]  }
0x39: {  	_ = 	snop;
	(pc) =	sbr.ind lr, $3  }
0x3a: {  	_ = 	snop  }
0x3b: {  	_ = 	snop  }
0x3c: {  	p2 =	seq.s32 s10, $0x1;
	s10 =	sld [smem:$0x3FB2]  }
0x3d: {  	_ =	shalt  }
0x3e: {  	_ =	shalt  }
0x3f: {  	_ =	shalt  }
0x40: {  	_ =	shalt  }
0x41: {  	_ =	shalt  }
0x42: {  	_ =	shalt  }
0x43: {  	_ =	shalt  }
0x44: {  	_ =	shalt  }
0x45: {  	_ =	shalt  }
0x46: {  	_ =	shalt  }
0x47: {  	_ =	shalt  }
0x48: {  	_ =	shalt  }
0x49: {  	_ =	shalt  }
0x4a: {  	_ =	shalt  }
0x4b: {  	_ =	shalt  }
0x4c: {  	_ =	shalt  }
0x4d: {  	_ =	shalt  }
0x4e: {  	_ =	shalt  }
0x4f: {  	_ =	shalt  }
0x50: {  	_ =	shalt  }
0x51: {  	_ =	shalt  }
0x52: {  	_ =	shalt  }
0x53: {  	_ =	shalt  }
0x54: {  	_ =	shalt  }
0x55: {  	_ =	shalt  }
0x56: {  	_ =	shalt  }
0x57: {  	_ =	shalt  }
0x58: {  	_ =	shalt  }
0x59: {  	_ =	shalt  }
0x5a: {  	_ =	shalt  }
0x5b: {  	_ =	shalt  }
0x5c: {  	_ =	shalt  }
0x5d: {  	_ =	shalt  }
0x5e: {  	_ =	shalt  }
0x5f: {  	_ =	shalt  }
0x60: {  	_ =	shalt  }
0x61: {  	_ =	shalt  }
0x62: {  	_ =	shalt  }
0x63: {  	_ =	shalt  }
0x64: {  	_ =	shalt  }
0x65: {  	_ =	shalt  }
0x66: {  	_ =	shalt  }
0x67: {  	_ =	shalt  }
0x68: {  	_ =	shalt  }
0x69: {  	_ =	shalt  }
0x6a: {  	_ =	shalt  }
0x6b: {  	_ =	shalt  }
0x6c: {  	_ =	shalt  }
0x6d: {  	_ =	shalt  }
0x6e: {  	_ =	shalt  }
0x6f: {  	_ =	shalt  }
0x70: {  	_ =	shalt  }
0x71: {  	_ =	shalt  }
0x72: {  	_ =	shalt  }
0x73: {  	_ =	shalt  }
0x74: {  	_ =	shalt  }
0x75: {  	_ =	shalt  }
0x76: {  	_ =	shalt  }
0x77: {  	_ =	shalt  }
0x78: {  	_ =	shalt  }
0x79: {  	_ =	shalt  }
0x7a: {  	_ =	shalt  }
0x7b: {  	_ =	shalt  }
0x7c: {  	_ =	shalt  }
0x7d: {  	_ =	shalt  }
0x7e: {  	_ =	shalt  }
0x7f: {  	_ =	shalt  }
0x80: {  	_ =	shalt  }
0x81: {  	_ =	shalt  }
0x82: {  	_ =	shalt  }
0x83: {  	_ =	shalt  }
0x84: {  	_ =	shalt  }
0x85: {  	_ =	shalt  }
0x86: {  	_ =	shalt  }
0x87: {  	_ =	shalt  }
.Lfunc_end0:
.L_simem_size_0:
called_computation_lowered:
.L_overlay_start_0:
0x88: {  	s2 =	sld [smem:$0x3FD9]  }
0x89: {  	s3 =	sld [smem:$0x3FFE];
	_ =	sdelay $0x1  }
0x8a: {  	s1 =	srdreg.scid  }
0x8b: {  	s0 =	sand.u32 $0x1, s1  }
0x8c: {  	s14 =	sshll.u32 s0, $0xA;
	s2 =	sadd.s32 s3, s2  }
0x8d: {  	s2 =	sadd.s32 s2, s14  }
0x8e: {  	[smem:$0x3FBE] =	sst s2  }
0x8f: {  	_ = 	snop  }
0x90: {  	s2 =	sld [smem:$0x3FD0];
	_ =	sdelay $0x2  }
0x91: {  	s15 =	simm.s32 $0xA;
	s4 =	simm.s32 $0x10  }
0x92: {  	[smem:s4], [sflag:s15] =	dma.local [hbm:s2], $0x1  }
0x93: {  	_ =	swait.eq [sflag:s15], $0x1  }
0x94: {  	[sflag:s15] =	ssyncset.done $0x0  }
0x95: {  	s16 =	sld [smem:$0x10];
	[sflag:s15] =	ssyncadd.s32 $0xFFFFFFFF  }
0x96: {  	s17 =	sld [smem:$0x12];
	(tm) =	ssettm $0x1  }
0x97: {  	s18 =	sld [smem:$0x3FFB];
	_ =	sdelay $0x3  }
0x98: {  	_ =	strace s18  }
0x99: {  	s4 =	sld [smem:$0x3FFC];
	_ =	sdelay $0x3  }
0x9a: {  	_ =	strace s4  }
0x9b: {  	s4 =	sld [smem:$0x3FFD];
	_ =	sdelay $0x3  }
0x9c: {  	_ =	strace s4  }
0x9d: {  	_ =	strace $0x8FFFFFFF  }
0x9e: {  	s19 =	sld [smem:$0x3FDB];
	_ =	sdelay $0x1  }
0x9f: {  	s5 =	simm.s32 $_scs_section_size  }
0xa0: {  	s6 =	simm.s32 $_size__tile_overlayer_lowered;
	s7 =	simm.s32 $_tile_overlayer_lowered  }
0xa1: {  	s22 =	simm.s32 $0x1BFF;
	s21 =	sshll.u32 s7, $0x1;
	s4 =	sadd.s32 s5, s19  }
0xa2: {  	s8 =	simm.s32 $0x0;
	s20 =	sshll.u32 s6, $0x1;
	s6 =	sadd.s32 s21, s4  }
0xa3: {  	[timem:s8], [sflag:s22] =	dma.local [hbm:s6], s20  }
0xa4: {  	_ =	swait.ge [sflag:s22], s20  }
0xa5: {  	s5 =	ssub.s32 $0x0, s20;
	[sflag:s22] =	ssyncset.done $0x0  }
0xa6: {  	[sflag:s22] =	ssyncadd.s32 s5;
	_ =	sdelay $0x1  }
0xa7: {  	s23 =	simm.s32 $0x1B8B  }
0xa8: {  	_ =	swait.ge [sflag:s23], $0x1  }
0xa9: {  	[sflag:s23] =	ssyncset.done $0x0  }
0xaa: {  	s25 =	simm.s32 $0x1B8E;
	s24 =	sld [smem:$0x3FFE];
	[sflag:s23] =	ssyncadd.s32 $0xFFFFFFFF  }
0xab: {  	s26 =	simm.s32 $execute0_lowered;
	[smem:$0x3FD2] =	sst s25  }
0xac: {  	s6 =	sshll.u32 s26, $0x1;
	_ =	strace $0x80000046;
	[dreg:$0x1] =	wrdreg $0xFFFFFFFF  }
0xad: {  	s28 =	simm.s32 $_size_execute0_lowered;
	s4 =	sadd.s32 s4, s6;
	[dreg:$0x0] =	wrdreg $0x0  }
0xae: {  	s6 =	sshll.u32 s28, $0x1;
	[dreg:$0x2] =	wrdreg s4  }
0xaf: {  	[dreg:$0x3] =	wrdreg s6  }
0xb0: {  	[dreg:$0x4] =	wrdreg $0xC0  }
0xb1: {  	_ =	task [dreg:s8], $0x5FFFF  }
0xb2: {  	[dreg:$0x1] =	wrdreg $0xFFFFFFFF  }
0xb3: {  	[dreg:$0x0] =	wrdreg $0x60  }
0xb4: {  	[dreg:$0x2] =	wrdreg s24  }
0xb5: {  	[dreg:$0x3] =	wrdreg s16  }
0xb6: {  	[dreg:$0x4] =	wrdreg s17  }
0xb7: {  	[dreg:$0x5] =	wrdreg $0x1C000  }
0xb8: {  	[dreg:$0x6] =	wrdreg $0x9  }
0xb9: {  	_ =	task.clear_ibuf [dreg:s8], $0x7FFFF;
	_ =	strace $0x90000046  }
0xba: {  	s29 =	simm.s32 $0x9;
	_ =	strace $0x80000048  }
0xbb: {  	_ =	swait.ge [sflag:s29], $0x1  }
0xbc: {  	[sflag:s29] =	ssyncadd.s32 $0xFFFFFFFF  }
0xbd: {  	_ =	strace $0x90000048  }
0xbe: {  	_ =	sfence  }
0xbf: {  	s30 =	sld [smem:$0x0];
	_ =	sdelay $0x2  }
0xc0: {  	s31 =	sshll.u32 s1, $0xD;
	s1 =	sshrl.u32 s1, $0x2  }
0xc1: {  	s3 =	sand.u32 $0x4000, s31;
	s1 =	sadd.s32 s1, s30  }
0xc2: {  	s0 =	sor.u32 s3, s0;
	s1 =	sshll.u32 s1, $0x11  }
0xc3: {  	s0 =	sor.u32 s1, s0  }
0xc4: {  	s0 =	sadd.s32 $0x8F2B, s0  }
0xc5: {  	[sflag:s0] =	ssyncadd.remote.s32 $0x1  }
0xc6: {  	_ =	sfence.sel $0xFFFF  }
0xc7: {  	[dreg:$0x0] =	wrdreg $0xFFFFFFFF;
	(pc) =	sbr.abs _section_cstart, $3  }
0xc8: {  	[dreg:$0x1] =	wrdreg $0xFFFFFFFF  }
0xc9: {  	_ =	task.clear_ibuf [dreg:s8], $0x2FFFF;
	_ =	strace $0x9FFFFFFF  }
0xca: {  	(tm) =	ssettm $0x7FFFFFFF  }
0xcb: {  	_ =	shalt  }
tec
execute0_lowered:
.L_overlay_start_1:
0x0: {  	(tag) =	ssettag $0x1  }
0x1: {  	s0 =	rddreg [dreg:$0x0]  }
0x2: {  	s1 =	rddreg [dreg:$0x1]  }
0x3: {  	s3 =	rddreg [dreg:$0x3];
	s2 =	srdreg.scid  }
0x4: {  	s9 =	stileid.u32;
	s4 =	simm.s32 $0x0;
	s10 =	simm.s32 $0x1400  }
0x5: {  	s13 =	simm.s32 $0x80;
	s15 =	simm.s32 $0xB80;
	s16 =	simm.s32 $0xC00  }
0x6: {  	s17 =	simm.s32 $0xC80;
	s18 =	simm.s32 $0xD00;
	s19 =	simm.s32 $0xD80  }
0x7: {  	s20 =	simm.s32 $0xE00;
	s21 =	simm.s32 $0xE80;
	s22 =	simm.s32 $0xF00  }
0x8: {  	s23 =	simm.s32 $0xF80;
	s24 =	simm.s32 $0x1000;
	s28 =	simm.s32 $0x1180  }
0x9: {  	s29 =	simm.s32 $0x1200;
	s30 =	simm.s32 $0x1280;
	s31 =	simm.s32 $0x1300  }
0xa: {  	s2 =	sand.u32 $0x1, s2;
	s5 =	sshll.u32 s9, $0x1;
	s6 =	smul.u32 $0x2800, s9  }
0xb: {  	[smem:$0x7FF] =	sst s4;
	s26 =	sshll.u32 s9, $0x6;
	s9 =	simm.s32 $0x2  }
0xc: {  	s5 =	sor.u32 s2, s5;
	s7 =	smul.u32 $0x28000, s2;
	_ =	strace $0x80000047  }
0xd: {  	s2 =	ssub.s32 $0x2, s2;
	s11 =	sor.u32 $0x1C02, s26;
	s26 =	simm.s32 $0x1100  }
0xe: {  	s5 =	smul.u32 $0x280, s5;
	s8 =	sshrl.u32 s2, $0x1;
	s25 =	sshrl.u32 s6, $0x3  }
0xf: {  	s12 =	sadd.s32 s6, s3;
	s7 =	sadd.s32 s6, s7;
	s2 =	ssub.s32 s2, s8  }
0x10: {  	s6 =	sadd.s32 s1, s25;
	s12 =	sshrl.u32 s12, $0x3;
	s25 =	simm.s32 $0x1080  }
0x11: {  	s1 =	simm.s32 $0x1;
	s5 =	sadd.s32 s5, s0;
	s7 =	sshrl.u32 s7, $0x3  }
0x12: {  	s8 =	smax.u32 s2, $0x1;
	s2 =	simm.s32 $0x0;
	s0 =	sadd.s32 s7, s0  }
0x13: {  	s5 =	sadd.s32 $0x3000, s5;
	s7 =	sadd.s32 $0x8000, s0;
	s0 =	simm.s32 $0x1380  }
.LBB2_1:
0x14: {  	[tilespmem:s4], [sflag:$0x2] =	stream.linear.gather [hbm4b:s5+s4], $0x1400, $0x38;
	[tilespmem:$0x4400] =	vst v63  }
0x15: {  	_ =	swait.ge [sflag:s9], $0x1400  }
0x16: {  	[sflag:s9] =	ssyncset.done $0x0  }
0x17: {  	[sflag:s9] =	ssyncadd.s32 $0xFFFFEC00  }
0x18: {  	s14 =	rddreg [dreg:$0x2]  }
0x19: {  	[tilespmem:s10], [sflag:$0x2] =	stream.linear.gather [hbm4b:s14+s4], $0x800, $0x38;
	[tilespmem:$0x4400] =	vst v63  }
0x1a: {  	_ =	swait.ge [sflag:s9], $0x800  }
0x1b: {  	[sflag:s9] =	ssyncset.done $0x0  }
0x1c: {  	[sflag:s9] =	ssyncadd.s32 $0xFFFFF800  }
0x1d: {  	[spmem:s12], [sflag:s11] =	dma.local [hbm:s6], $0x500  }
0x1e: {  	_ =	swait.ge [sflag:s9], $0x500  }
0x1f: {  	[sflag:s9] =	ssyncset.done $0x0  }
0x20: {  	[sflag:s9] =	ssyncadd.s32 $0xFFFFFB00  }
0x21: {  	[bflag:$0x0] =	sbarrier.arrive $0xFFFF  }
0x22: {  	[spmem:s3] =	stream.indirect.scatter.add.f32 [tilespmem:s10], [sflag:$0x1], $0x10, s4, s13, $0xb8;
	[tilespmem:$0x4400] =	vst v63  }
0x23: {  	_ = 	snop  }
0x24: {  	[spmem:s3] =	stream.indirect.scatter.add.f32 [tilespmem:s10], [sflag:$0x1], $0x10, s13, s13, $0xb8;
	[tilespmem:$0x4400] =	vst v63  }
0x25: {  	s14 =	simm.s32 $0x100  }
0x26: {  	[spmem:s3] =	stream.indirect.scatter.add.f32 [tilespmem:s10], [sflag:$0x1], $0x10, s14, s13, $0xb8;
	[tilespmem:$0x4400] =	vst v63  }
0x27: {  	s14 =	simm.s32 $0x180  }
0x28: {  	[spmem:s3] =	stream.indirect.scatter.add.f32 [tilespmem:s10], [sflag:$0x1], $0x10, s14, s13, $0xb8;
	[tilespmem:$0x4400] =	vst v63  }
0x29: {  	s14 =	simm.s32 $0x200  }
0x2a: {  	[spmem:s3] =	stream.indirect.scatter.add.f32 [tilespmem:s10], [sflag:$0x1], $0x10, s14, s13, $0xb8;
	[tilespmem:$0x4400] =	vst v63  }
0x2b: {  	s14 =	simm.s32 $0x280  }
0x2c: {  	[spmem:s3] =	stream.indirect.scatter.add.f32 [tilespmem:s10], [sflag:$0x1], $0x10, s14, s13, $0xb8;
	[tilespmem:$0x4400] =	vst v63  }
0x2d: {  	s14 =	simm.s32 $0x300  }
0x2e: {  	[spmem:s3] =	stream.indirect.scatter.add.f32 [tilespmem:s10], [sflag:$0x1], $0x10, s14, s13, $0xb8;
	[tilespmem:$0x4400] =	vst v63  }
0x2f: {  	s14 =	simm.s32 $0x380  }
0x30: {  	[spmem:s3] =	stream.indirect.scatter.add.f32 [tilespmem:s10], [sflag:$0x1], $0x10, s14, s13, $0xb8;
	[tilespmem:$0x4400] =	vst v63  }
0x31: {  	s14 =	simm.s32 $0x400  }
0x32: {  	[spmem:s3] =	stream.indirect.scatter.add.f32 [tilespmem:s10], [sflag:$0x1], $0x10, s14, s13, $0xb8;
	[tilespmem:$0x4400] =	vst v63  }
0x33: {  	s14 =	simm.s32 $0x480  }
0x34: {  	[spmem:s3] =	stream.indirect.scatter.add.f32 [tilespmem:s10], [sflag:$0x1], $0x10, s14, s13, $0xb8;
	[tilespmem:$0x4400] =	vst v63  }
0x35: {  	s14 =	simm.s32 $0x500  }
0x36: {  	[spmem:s3] =	stream.indirect.scatter.add.f32 [tilespmem:s10], [sflag:$0x1], $0x10, s14, s13, $0xb8;
	[tilespmem:$0x4400] =	vst v63  }
0x37: {  	s14 =	simm.s32 $0x580  }
0x38: {  	[spmem:s3] =	stream.indirect.scatter.add.f32 [tilespmem:s10], [sflag:$0x1], $0x10, s14, s13, $0xb8;
	[tilespmem:$0x4400] =	vst v63  }
0x39: {  	s14 =	simm.s32 $0x600  }
0x3a: {  	[spmem:s3] =	stream.indirect.scatter.add.f32 [tilespmem:s10], [sflag:$0x1], $0x10, s14, s13, $0xb8;
	[tilespmem:$0x4400] =	vst v63  }
0x3b: {  	s14 =	simm.s32 $0x680  }
0x3c: {  	[spmem:s3] =	stream.indirect.scatter.add.f32 [tilespmem:s10], [sflag:$0x1], $0x10, s14, s13, $0xb8;
	[tilespmem:$0x4400] =	vst v63  }
0x3d: {  	s14 =	simm.s32 $0x700  }
0x3e: {  	[spmem:s3] =	stream.indirect.scatter.add.f32 [tilespmem:s10], [sflag:$0x1], $0x10, s14, s13, $0xb8;
	[tilespmem:$0x4400] =	vst v63  }
0x3f: {  	s14 =	simm.s32 $0x780  }
0x40: {  	[spmem:s3] =	stream.indirect.scatter.add.f32 [tilespmem:s10], [sflag:$0x1], $0x10, s14, s13, $0xb8;
	[tilespmem:$0x4400] =	vst v63  }
0x41: {  	s14 =	simm.s32 $0x800  }
0x42: {  	[spmem:s3] =	stream.indirect.scatter.add.f32 [tilespmem:s10], [sflag:$0x1], $0x10, s14, s13, $0xb8;
	[tilespmem:$0x4400] =	vst v63  }
0x43: {  	s14 =	simm.s32 $0x880  }
0x44: {  	[spmem:s3] =	stream.indirect.scatter.add.f32 [tilespmem:s10], [sflag:$0x1], $0x10, s14, s13, $0xb8;
	[tilespmem:$0x4400] =	vst v63  }
0x45: {  	s14 =	simm.s32 $0x900  }
0x46: {  	[spmem:s3] =	stream.indirect.scatter.add.f32 [tilespmem:s10], [sflag:$0x1], $0x10, s14, s13, $0xb8;
	[tilespmem:$0x4400] =	vst v63  }
0x47: {  	s14 =	simm.s32 $0x980  }
0x48: {  	[spmem:s3] =	stream.indirect.scatter.add.f32 [tilespmem:s10], [sflag:$0x1], $0x10, s14, s13, $0xb8;
	[tilespmem:$0x4400] =	vst v63  }
0x49: {  	s14 =	simm.s32 $0xA00  }
0x4a: {  	[spmem:s3] =	stream.indirect.scatter.add.f32 [tilespmem:s10], [sflag:$0x1], $0x10, s14, s13, $0xb8;
	[tilespmem:$0x4400] =	vst v63  }
0x4b: {  	s14 =	simm.s32 $0xA80  }
0x4c: {  	[spmem:s3] =	stream.indirect.scatter.add.f32 [tilespmem:s10], [sflag:$0x1], $0x10, s14, s13, $0xb8;
	[tilespmem:$0x4400] =	vst v63  }
0x4d: {  	s14 =	simm.s32 $0xB00  }
0x4e: {  	[spmem:s3] =	stream.indirect.scatter.add.f32 [tilespmem:s10], [sflag:$0x1], $0x10, s14, s13, $0xb8;
	[tilespmem:$0x4400] =	vst v63  }
0x4f: {  	_ = 	snop  }
0x50: {  	[spmem:s3] =	stream.indirect.scatter.add.f32 [tilespmem:s10], [sflag:$0x1], $0x10, s15, s13, $0xb8;
	[tilespmem:$0x4400] =	vst v63  }
0x51: {  	_ = 	snop  }
0x52: {  	[spmem:s3] =	stream.indirect.scatter.add.f32 [tilespmem:s10], [sflag:$0x1], $0x10, s16, s13, $0xb8;
	[tilespmem:$0x4400] =	vst v63  }
0x53: {  	_ = 	snop  }
0x54: {  	[spmem:s3] =	stream.indirect.scatter.add.f32 [tilespmem:s10], [sflag:$0x1], $0x10, s17, s13, $0xb8;
	[tilespmem:$0x4400] =	vst v63  }
0x55: {  	_ = 	snop  }
0x56: {  	[spmem:s3] =	stream.indirect.scatter.add.f32 [tilespmem:s10], [sflag:$0x1], $0x10, s18, s13, $0xb8;
	[tilespmem:$0x4400] =	vst v63  }
0x57: {  	_ = 	snop  }
0x58: {  	[spmem:s3] =	stream.indirect.scatter.add.f32 [tilespmem:s10], [sflag:$0x1], $0x10, s19, s13, $0xb8;
	[tilespmem:$0x4400] =	vst v63  }
0x59: {  	_ = 	snop  }
0x5a: {  	[spmem:s3] =	stream.indirect.scatter.add.f32 [tilespmem:s10], [sflag:$0x1], $0x10, s20, s13, $0xb8;
	[tilespmem:$0x4400] =	vst v63  }
0x5b: {  	_ = 	snop  }
0x5c: {  	[spmem:s3] =	stream.indirect.scatter.add.f32 [tilespmem:s10], [sflag:$0x1], $0x10, s21, s13, $0xb8;
	[tilespmem:$0x4400] =	vst v63  }
0x5d: {  	_ = 	snop  }
0x5e: {  	[spmem:s3] =	stream.indirect.scatter.add.f32 [tilespmem:s10], [sflag:$0x1], $0x10, s22, s13, $0xb8;
	[tilespmem:$0x4400] =	vst v63  }
0x5f: {  	_ = 	snop  }
0x60: {  	[spmem:s3] =	stream.indirect.scatter.add.f32 [tilespmem:s10], [sflag:$0x1], $0x10, s23, s13, $0xb8;
	[tilespmem:$0x4400] =	vst v63  }
0x61: {  	_ = 	snop  }
0x62: {  	[spmem:s3] =	stream.indirect.scatter.add.f32 [tilespmem:s10], [sflag:$0x1], $0x10, s24, s13, $0xb8;
	[tilespmem:$0x4400] =	vst v63  }
0x63: {  	_ = 	snop  }
0x64: {  	[spmem:s3] =	stream.indirect.scatter.add.f32 [tilespmem:s10], [sflag:$0x1], $0x10, s25, s13, $0xb8;
	[tilespmem:$0x4400] =	vst v63  }
0x65: {  	_ = 	snop  }
0x66: {  	[spmem:s3] =	stream.indirect.scatter.add.f32 [tilespmem:s10], [sflag:$0x1], $0x10, s26, s13, $0xb8;
	[tilespmem:$0x4400] =	vst v63  }
0x67: {  	_ = 	snop  }
0x68: {  	[spmem:s3] =	stream.indirect.scatter.add.f32 [tilespmem:s10], [sflag:$0x1], $0x10, s28, s13, $0xb8;
	[tilespmem:$0x4400] =	vst v63  }
0x69: {  	_ = 	snop  }
0x6a: {  	[spmem:s3] =	stream.indirect.scatter.add.f32 [tilespmem:s10], [sflag:$0x1], $0x10, s29, s13, $0xb8;
	[tilespmem:$0x4400] =	vst v63  }
0x6b: {  	_ = 	snop  }
0x6c: {  	[spmem:s3] =	stream.indirect.scatter.add.f32 [tilespmem:s10], [sflag:$0x1], $0x10, s30, s13, $0xb8;
	[tilespmem:$0x4400] =	vst v63  }
0x6d: {  	_ = 	snop  }
0x6e: {  	[spmem:s3] =	stream.indirect.scatter.add.f32 [tilespmem:s10], [sflag:$0x1], $0x10, s31, s13, $0xb8;
	[tilespmem:$0x4400] =	vst v63  }
0x6f: {  	_ = 	snop  }
0x70: {  	[spmem:s3] =	stream.indirect.scatter.add.f32 [tilespmem:s10], [sflag:$0x1], $0x10, s0, s13, $0xb8;
	[tilespmem:$0x4400] =	vst v63  }
0x71: {  	_ =	swait.ge [sflag:s1], $0x800  }
0x72: {  	s14 =	simm.s32 $0x27;
	[sflag:s1] =	ssyncset.done $0x0  }
.LBB2_2:
0x73: {  	p0 =	sne.s32 s14, $0x1;
	s14 =	sadd.s32 $0xFFFFFFFF, s14;
	[sflag:s1] =	ssyncadd.s32 $0xFFFFF800  }
.Ltmp0:
0x74: {  	(pc) =	sbr.rel @p0 .LBB2_2-.Ltmp0, $3  }
0x75: {  	_ =	sdelay $0x1  }
0x76: {  	_ =	swait.ge [sflag:s1], $0x800  }
0x77: {  	[sflag:s1] =	ssyncset.done $0x0  }
0x78: {  	s2 =	sadd.s32 $0x1, s2  }
0x79: {  	[sflag:s1] =	ssyncadd.s32 $0xFFFFF800;
	p0 =	sne.s32 s2, s8  }
.Ltmp1:
0x7a: {  	[bflag:$0x0] =	sbarrier.arrive $0xFFFF;
	(pc) =	sbr.rel @p0 .LBB2_1-.Ltmp1, $4  }
0x7b: {  	[hbm:s7], [sflag:s11] =	dma.local [spmem:s12], $0x500  }
0x7c: {  	_ =	swait.ge [sflag:s9], $0x500  }
0x7d: {  	[sflag:s9] =	ssyncset.done $0x0  }
0x7e: {  	[sflag:s9] =	ssyncadd.s32 $0xFFFFFB00  }
0x7f: {  	_ =	sfence.sel $0x180000  }
0x80: {  	[bflag:$0x0] =	sbarrier.arrive $0xFFFF  }
0x81: {  	_ =	strace $0x90000047  }
0x82: {  	s0 =	stileid.u32;
	[bflag:$0x2] =	sbarrier.arrive $0xFFFF  }
0x83: {  	p0 =	sne.s32 s0, $0x0;
	s0 =	rddreg [dreg:$0x4]  }
0x84: {  	s0 =	sadd.s32 @!p0 $0x100000, s0  }
0x85: {  	[sflag:s0] =	ssyncadd.tile.s32 @!p0 $0x1;
	_ =	shalt  }
.Lfunc_end2:
_tile_overlayer_lowered:
.L_overlay_start_2:
0x86: {  	(tag) =	ssettag $0x2  }
0x87: {  	s0 =	rddreg [dreg:$0x0];
	s2 =	stileid.u32  }
0x88: {  	s1 =	rddreg [dreg:$0x1];
	p0 =	sne.s32 s2, $0x0  }
0x89: {  	s3 =	rddreg [dreg:$0x2];
	[bflag:$0x3] =	sbarrier.arrive $0xFFFF;
	s2 =	simm.s32 @!p0 $0x1C02  }
0x8a: {  	[timem:s3], [sflag:s2] =	dma.local @!p0 [hbm:s0], s1  }
0x8b: {  	s0 =	simm.s32 @!p0 $0x2  }
0x8c: {  	_ =	swait.ge @!p0 [sflag:s0], s1  }
0x8d: {  	s1 =	ssub.s32 @!p0 $0x0, s1;
	[sflag:s0] =	ssyncset.done @!p0 $0x0  }
0x8e: {  	[sflag:s0] =	ssyncadd.s32 @!p0 s1  }
0x8f: {  	[bflag:$0x3] =	sbarrier.arrive $0xFFFF  }
0x90: {  	_ =	shalt  }

</sc_bundles>
